<compile_context>
chip_gen: v7x
topology: tpu7x:2x2x1
jax: 0.10.2.dev20260603
libtpu: 0.0.44.dev20260713+nightly
codegen_flags: <defaults>
</compile_context>

<pallas_src>
import functools

import jax
import jax.numpy as jnp
from jax import lax
from jax.experimental import pallas as pl
from jax.experimental.pallas import tpu as pltpu
from jax.experimental.pallas import tpu_sc as plsc

N_NODES = 50000
LANES = 16
N_PAD = 50048
QUARTER = N_PAD // 4
SUBQ = QUARTER // 2
CHUNK = 3200
CBLK = CHUNK // 128
FUSE = 10


def _sc_body(E, EP, NCH,
             dst_hbm, lgT_hbm, scB_hbm,
             out_hbm, part_hbm, fin_hbm,
             table, table_b, dst_buf, lg_buf, sc_buf, out_buf, red_a, red_b):
    c = lax.axis_index("c")
    s = lax.axis_index("s")
    head_local = s // 4
    head = c * 4 + head_local
    part = s % 4
    w = c * 16 + s

    def init_body(i, _):
        ninf = jnp.full((LANES,), -jnp.inf, jnp.float32)
        table[pl.ds(i * LANES, LANES)] = ninf
        table_b[pl.ds(i * LANES, LANES)] = ninf
        return 0
    lax.fori_loop(0, N_PAD // LANES, init_body, 0)

    def chunk1(ci, _):
        base = pl.multiple_of(part * EP + ci * CHUNK, 128)
        pltpu.sync_copy(dst_hbm.at[pl.ds(base, CHUNK)], dst_buf)
        pltpu.sync_copy(lgT_hbm.at[pl.ds(head * E + base, CHUNK)], lg_buf)

        tabsel = [table, table_b] * (FUSE // 2)

        def vec(j4, _):
            j0 = j4 * FUSE
            ds_ = [dst_buf[pl.ds((j0 + k) * LANES, LANES)] for k in range(FUSE)]
            vs = [lg_buf[pl.ds((j0 + k) * LANES, LANES)] for k in range(FUSE)]
            gs = tuple(plsc.load_gather(tabsel[k], [ds_[k]]) for k in range(FUSE))

            def cond(gc):
                m = vs[0] > gc[0]
                for k in range(1, FUSE):
                    m = m | (vs[k] > gc[k])
                return jnp.any(m)

            def wbody(gc):
                for k in range(FUSE):
                    plsc.store_scatter(tabsel[k], [ds_[k]], vs[k],
                                       mask=vs[k] > gc[k])
                return tuple(plsc.load_gather(tabsel[k], [ds_[k]])
                             for k in range(FUSE))

            lax.while_loop(cond, wbody, gs)
            return 0
        lax.fori_loop(0, CHUNK // LANES // FUSE, vec, 0)
        return 0
    lax.fori_loop(0, NCH, chunk1, 0)

    pltpu.sync_copy(table, part_hbm.at[pl.ds(w * N_PAD, N_PAD)])
    pltpu.sync_copy(table_b, part_hbm.at[pl.ds((32 + w) * N_PAD, N_PAD)])
    plsc.subcore_barrier()

    team = c * 16 + head_local * 4
    rows = [team + j for j in range(4)] + [32 + team + j for j in range(4)]
    for q2 in range(2):
        qoff = part * QUARTER + q2 * SUBQ
        pltpu.sync_copy(part_hbm.at[pl.ds(rows[0] * N_PAD + qoff, SUBQ)], red_a)
        for r in rows[1:]:
            pltpu.sync_copy(part_hbm.at[pl.ds(r * N_PAD + qoff, SUBQ)],
                            red_b)

            def mx_body(i, _):
                sl = pl.ds(i * LANES, LANES)
                red_a[sl] = jnp.maximum(red_a[sl], red_b[sl])
                return 0
            lax.fori_loop(0, SUBQ // LANES, mx_body, 0)
        pltpu.sync_copy(red_a, fin_hbm.at[pl.ds(head * N_PAD + qoff, SUBQ)])
    plsc.subcore_barrier()
    pltpu.sync_copy(fin_hbm.at[pl.ds(head * N_PAD, N_PAD)], table)

    def chunk3(ci, _):
        base = pl.multiple_of(part * EP + ci * CHUNK, 128)
        bblk = part * (EP // 128) + ci * CBLK
        pltpu.sync_copy(dst_hbm.at[pl.ds(base, CHUNK)], dst_buf)
        pltpu.sync_copy(lgT_hbm.at[pl.ds(head * E + base, CHUNK)], lg_buf)
        pltpu.sync_copy(scB_hbm.at[pl.ds(bblk, CBLK), head, :], sc_buf)

        @plsc.parallel_loop(0, CHUNK // LANES, unroll=4)
        def vec(j):
            sl = pl.ds(j * LANES, LANES)
            d = dst_buf[sl]
            mx = plsc.load_gather(table, [d])
            sc = sc_buf[j // 8, pl.ds((j % 8) * LANES, LANES)]
            out_buf[sl] = sc * jnp.exp(lg_buf[sl] - mx)
        pltpu.sync_copy(out_buf, out_hbm.at[pl.ds(head * E + base, CHUNK)])
        return 0
    lax.fori_loop(0, NCH, chunk3, 0)


def kernel(edge_index, logits, scale):
    E, H = scale.shape
    assert H == 8 and E % (4 * CHUNK) == 0 and E % 128 == 0
    EP = E // 4
    NCH = EP // CHUNK

    dst = edge_index[1]
    lgT = logits.transpose(1, 0, 2).reshape(H * E)
    scB = scale.reshape(E // 128, 128, H).transpose(0, 2, 1)

    mesh = plsc.VectorSubcoreMesh(core_axis_name="c", subcore_axis_name="s")
    params = pltpu.CompilerParams(needs_layout_passes=False)

    eT, _parts, _fin = pl.kernel(
        functools.partial(_sc_body, E, EP, NCH),
        out_type=(
            jax.ShapeDtypeStruct((H * E,), jnp.float32),
            jax.ShapeDtypeStruct((64 * N_PAD,), jnp.float32),
            jax.ShapeDtypeStruct((8 * N_PAD,), jnp.float32),
        ),
        mesh=mesh,
        compiler_params=params,
        scratch_types=[
            pltpu.VMEM((N_PAD,), jnp.float32),
            pltpu.VMEM((N_PAD,), jnp.float32),
            pltpu.VMEM((CHUNK,), jnp.int32),
            pltpu.VMEM((CHUNK,), jnp.float32),
            pltpu.VMEM((CBLK, 128), jnp.float32),
            pltpu.VMEM((CHUNK,), jnp.float32),
            pltpu.VMEM((SUBQ,), jnp.float32),
            pltpu.VMEM((SUBQ,), jnp.float32),
        ],
    )(dst, lgT, scB)

    return eT.reshape(1, H, E).transpose(2, 1, 0)

# --- scband reference (transcript-rebuilt; emitter-appended) ---
"""Pipeline reference for scband-weighted-edge-softmax-14336600834853 (READ-ONLY COPY).

The authoritative reference and input builder live on the scoring server;
editing this copy changes nothing except your own understanding.
"""

import jax, jax.numpy as jnp
import numpy as np

N_NODES = 50000
N_EDGES = 1600000
N_HEADS = 8


def setup_inputs(seed: int = 0) -> dict:
    key = jax.random.key(seed)
    k1, k2, k3 = jax.random.split(key, 3)
    edge_index = jax.random.randint(k1, (2, N_EDGES), 0, N_NODES, dtype=jnp.int64 if jax.config.jax_enable_x64 else jnp.int32).astype(jnp.int32)
    logits = jax.random.normal(k2, (N_EDGES, N_HEADS, 1), dtype=jnp.float32)
    scale = jax.random.uniform(k3, (N_EDGES, N_HEADS), dtype=jnp.float32)
    return {"edge_index": edge_index, "logits": logits, "scale": scale}


def reference(edge_index, logits, scale):
    # DGL WeightedEdgeSoftmax:
    # 1) per-dst-node max of edge logits (numerical stabilization)
    # 2) edge value = scale * exp(logit - max_at_dst)
    # 3) per-dst-node sum (normalizer) stored in node data (computed, not returned)
    # returns the (unnormalized) scaled exp edge values, matching graph.edata.pop('_logits')
    dst = edge_index[1]
    max_logits = jax.ops.segment_max(logits, dst, num_segments=N_NODES)  # [N, H, 1]
    e = scale[..., None] * jnp.exp(logits - max_logits[dst])             # [E, H, 1]
    norm = jax.ops.segment_sum(e, dst, num_segments=N_NODES)             # [N, H, 1] (side state in DGL)
    _ = norm
    return e

if __name__ == "__main__":
    import jax
    _d = setup_inputs()
    print(jax.jit(kernel)(*tuple(_d.values())))

</pallas_src>

<mosaic_0001>
#map = affine_map<(d0, d1) -> (0)>
#map1 = affine_map<(d0, d1) -> (0, 0, 0)>
module attributes {stable_mosaic.version = 14 : i64} {
  func.func @_sc_body(%arg0: i32, %arg1: i32, %arg2: memref<1600000xi32, #tpu.memory_space<hbm>>, %arg3: memref<12800000xf32, #tpu.memory_space<hbm>>, %arg4: memref<12500x8x128xf32, #tpu.memory_space<hbm>>, %arg5: memref<12800000xf32, #tpu.memory_space<hbm>>, %arg6: memref<3203072xf32, #tpu.memory_space<hbm>>, %arg7: memref<400384xf32, #tpu.memory_space<hbm>>, %arg8: memref<50048xf32, #tpu.memory_space<vmem>>, %arg9: memref<50048xf32, #tpu.memory_space<vmem>>, %arg10: memref<3200xi32, #tpu.memory_space<vmem>>, %arg11: memref<3200xf32, #tpu.memory_space<vmem>>, %arg12: memref<25x128xf32, #tpu.memory_space<vmem>>, %arg13: memref<3200xf32, #tpu.memory_space<vmem>>, %arg14: memref<6256xf32, #tpu.memory_space<vmem>>, %arg15: memref<6256xf32, #tpu.memory_space<vmem>>) attributes {dimension_semantics = [#tpu.dimension_semantics<core_parallel>, #tpu.dimension_semantics<subcore_parallel>], iteration_bounds = array<i64: 2, 16>, scalar_prefetch = 0 : i64, scratch_operands = 8 : i64, tpu.core_type = #tpu.core_type<sc_vector_subcore>, window_params = [{transform_indices = #map}, {transform_indices = #map}, {transform_indices = #map1}, {transform_indices = #map}, {transform_indices = #map}, {transform_indices = #map}]} {
    %jit3A = arith.constant 4 : i32
    %div3A = arith.divsi %arg1, %jit3A : i32
    %sign3A = arith.constant 0 : i32
    %sign3A_0 = arith.cmpi sgt, %arg1, %sign3A : i32
    %sign3A_1 = arith.extui %sign3A_0 : i1 to i32
    %sign3A_2 = arith.constant 0 : i32
    %sign3A_3 = arith.cmpi slt, %arg1, %sign3A_2 : i32
    %sign3A_4 = arith.extui %sign3A_3 : i1 to i32
    %sign3A_5 = arith.subi %sign3A_1, %sign3A_4 : i32
    %sign3A_6 = arith.constant 0 : i32
    %sign3A_7 = arith.cmpi sgt, %jit3A, %sign3A_6 : i32
    %sign3A_8 = arith.extui %sign3A_7 : i1 to i32
    %sign3A_9 = arith.constant 0 : i32
    %sign3A_10 = arith.cmpi slt, %jit3A, %sign3A_9 : i32
    %sign3A_11 = arith.extui %sign3A_10 : i1 to i32
    %sign3A_12 = arith.subi %sign3A_8, %sign3A_11 : i32
    %ne3A = arith.cmpi ne, %sign3A_5, %sign3A_12 : i32
    %rem3A = arith.remsi %arg1, %jit3A : i32
    %ne3A_13 = arith.constant 0 : i32
    %ne3A_14 = arith.cmpi ne, %rem3A, %ne3A_13 : i32
    %and3A = arith.andi %ne3A, %ne3A_14 : i1
    %sub3A = arith.constant 1 : i32
    %sub3A_15 = arith.subi %div3A, %sub3A : i32
    %select_n3A = arith.select %and3A, %sub3A_15, %div3A : i32
    %mul3A = arith.constant 4 : i32
    %mul3A_16 = arith.muli %arg0, %mul3A : i32
    %add3A = arith.addi %mul3A_16, %select_n3A : i32
    %jit3A_17 = arith.constant 4 : i32
    %eq3A = arith.constant 0 : i32
    %eq3A_18 = arith.cmpi eq, %jit3A_17, %eq3A : i32
    %jit3A_19 = arith.constant 1 : i32
    %select_n3A_20 = arith.select %eq3A_18, %jit3A_19, %jit3A_17 : i32
    %rem3A_21 = arith.remsi %arg1, %select_n3A_20 : i32
    %ne3A_22 = arith.constant 0 : i32
    %ne3A_23 = arith.cmpi ne, %rem3A_21, %ne3A_22 : i32
    %lt3A = arith.constant 0 : i32
    %lt3A_24 = arith.cmpi slt, %rem3A_21, %lt3A : i32
    %lt3A_25 = arith.constant 0 : i32
    %lt3A_26 = arith.cmpi slt, %select_n3A_20, %lt3A_25 : i32
    %ne3A_27 = arith.xori %lt3A_24, %lt3A_26 : i1
    %and3A_28 = arith.andi %ne3A_27, %ne3A_23 : i1
    %add3A_29 = arith.addi %rem3A_21, %select_n3A_20 : i32
    %select_n3A_30 = arith.select %and3A_28, %add3A_29, %rem3A_21 : i32
    %mul3A_31 = arith.constant 16 : i32
    %mul3A_32 = arith.muli %arg0, %mul3A_31 : i32
    %add3A_33 = arith.addi %mul3A_32, %arg1 : i32
    %scan3A = arith.constant 0 : i32
    %scan3A_34 = arith.constant 0 : i32
    %scan3A_35 = arith.constant 3128 : i32
    %scan3A_36 = arith.addi %scan3A_34, %scan3A_35 : i32
    %scan3A_37 = arith.constant 1 : i32
    %scan3A_38 = scf.for %scan3A_252 = %scan3A_34 to %scan3A_36 step %scan3A_37 iter_args(%scan3A_253 = %scan3A) -> (i32)  : i32 {
      %broadcast_in_dim3A = arith.constant 0xFF800000 : f32
      %broadcast_in_dim3A_254 = vector.broadcast %broadcast_in_dim3A : f32 to vector<16xf32>
      %mul3A_255 = arith.constant 16 : i32
      %mul3A_256 = arith.muli %scan3A_252, %mul3A_255 : i32
      %swap3A = arith.index_cast %mul3A_256 : i32 to index
      %swap3A_257 = tpu.vector_load %arg8[%swap3A] {strides = array<i32>} : memref<50048xf32, #tpu.memory_space<vmem>>, vector<16xf32>,
      tpu.vector_store %arg8[%swap3A], %broadcast_in_dim3A_254 {strides = array<i32>} : memref<50048xf32, #tpu.memory_space<vmem>>, vector<16xf32>,
      %mul3A_258 = arith.constant 16 : i32
      %mul3A_259 = arith.muli %scan3A_252, %mul3A_258 : i32
      %swap3A_260 = arith.index_cast %mul3A_259 : i32 to index
      %swap3A_261 = tpu.vector_load %arg9[%swap3A_260] {strides = array<i32>} : memref<50048xf32, #tpu.memory_space<vmem>>, vector<16xf32>,
      tpu.vector_store %arg9[%swap3A_260], %broadcast_in_dim3A_254 {strides = array<i32>} : memref<50048xf32, #tpu.memory_space<vmem>>, vector<16xf32>,
      %scan3A_262 = arith.constant 0 : i32
      scf.yield %scan3A_262 : i32
    }
    %scan3A_39 = arith.constant 3128 : i32
    %scan3A_40 = arith.constant 0 : i32
    %scan3A_41 = arith.constant 0 : i32
    %scan3A_42 = arith.constant 125 : i32
    %scan3A_43 = arith.addi %scan3A_41, %scan3A_42 : i32
    %scan3A_44 = arith.constant 1 : i32
    %scan3A_45 = scf.for %scan3A_252 = %scan3A_41 to %scan3A_43 step %scan3A_44 iter_args(%scan3A_253 = %scan3A_40) -> (i32)  : i32 {
      %mul3A_254 = arith.constant 400000 : i32
      %mul3A_255 = arith.muli %select_n3A_30, %mul3A_254 : i32
      %mul3A_256 = arith.constant 3200 : i32
      %mul3A_257 = arith.muli %scan3A_252, %mul3A_256 : i32
      %add3A_258 = arith.addi %mul3A_255, %mul3A_257 : i32
      %multiple_of3A = tpu.assume_multiple %add3A_258, 128 : i32
      "tpu.region"() ({
        %run_scoped3A = tpu.sem_alloc : memref<!tpu.dma_semaphore, #tpu.memory_space<semaphore_mem>>
        %dma_start3A = tpu.memref_slice %arg2[%multiple_of3A] : memref<1600000xi32, #tpu.memory_space<hbm>> -> memref<3200xi32, #tpu.memory_space<hbm>>
        %dma_start3A_270 = tpu.memref_slice %arg2[%multiple_of3A] : memref<1600000xi32, #tpu.memory_space<hbm>> -> memref<3200xi32, #tpu.memory_space<hbm>>
        tpu.enqueue_dma source(%dma_start3A_270 : memref<3200xi32, #tpu.memory_space<hbm>>) target(%arg10 : memref<3200xi32, #tpu.memory_space<vmem>>) target_semaphore(%run_scoped3A : memref<!tpu.dma_semaphore, #tpu.memory_space<semaphore_mem>>)
        %dma_wait3A = tpu.memref_slice %arg2[%multiple_of3A] : memref<1600000xi32, #tpu.memory_space<hbm>> -> memref<3200xi32, #tpu.memory_space<hbm>>
        %dma_wait3A_271 = tpu.memref_slice %arg2[%multiple_of3A] : memref<1600000xi32, #tpu.memory_space<hbm>> -> memref<3200xi32, #tpu.memory_space<hbm>>
        tpu.wait_dma2 semaphore(%run_scoped3A : memref<!tpu.dma_semaphore, #tpu.memory_space<semaphore_mem>>) src(%dma_wait3A_271 : memref<3200xi32, #tpu.memory_space<hbm>>) dst(%arg10 : memref<3200xi32, #tpu.memory_space<vmem>>)
        tpu.yield
      }) : () -> ()
      %mul3A_259 = arith.constant 1600000 : i32
      %mul3A_260 = arith.muli %add3A, %mul3A_259 : i32
      %add3A_261 = arith.addi %mul3A_260, %multiple_of3A : i32
      "tpu.region"() ({
        %run_scoped3A = tpu.sem_alloc : memref<!tpu.dma_semaphore, #tpu.memory_space<semaphore_mem>>
        %dma_start3A = tpu.memref_slice %arg3[%add3A_261] : memref<12800000xf32, #tpu.memory_space<hbm>> -> memref<3200xf32, #tpu.memory_space<hbm>>
        %dma_start3A_270 = tpu.memref_slice %arg3[%add3A_261] : memref<12800000xf32, #tpu.memory_space<hbm>> -> memref<3200xf32, #tpu.memory_space<hbm>>
        tpu.enqueue_dma source(%dma_start3A_270 : memref<3200xf32, #tpu.memory_space<hbm>>) target(%arg11 : memref<3200xf32, #tpu.memory_space<vmem>>) target_semaphore(%run_scoped3A : memref<!tpu.dma_semaphore, #tpu.memory_space<semaphore_mem>>)
        %dma_wait3A = tpu.memref_slice %arg3[%add3A_261] : memref<12800000xf32, #tpu.memory_space<hbm>> -> memref<3200xf32, #tpu.memory_space<hbm>>
        %dma_wait3A_271 = tpu.memref_slice %arg3[%add3A_261] : memref<12800000xf32, #tpu.memory_space<hbm>> -> memref<3200xf32, #tpu.memory_space<hbm>>
        tpu.wait_dma2 semaphore(%run_scoped3A : memref<!tpu.dma_semaphore, #tpu.memory_space<semaphore_mem>>) src(%dma_wait3A_271 : memref<3200xf32, #tpu.memory_space<hbm>>) dst(%arg11 : memref<3200xf32, #tpu.memory_space<vmem>>)
        tpu.yield
      }) : () -> ()
      %scan3A_262 = arith.constant 0 : i32
      %scan3A_263 = arith.constant 0 : i32
      %scan3A_264 = arith.constant 20 : i32
      %scan3A_265 = arith.addi %scan3A_263, %scan3A_264 : i32
      %scan3A_266 = arith.constant 1 : i32
      %scan3A_267 = scf.for %scan3A_270 = %scan3A_263 to %scan3A_265 step %scan3A_266 iter_args(%scan3A_271 = %scan3A_262) -> (i32)  : i32 {
        %mul3A_272 = arith.constant 10 : i32
        %mul3A_273 = arith.muli %scan3A_270, %mul3A_272 : i32
        %add3A_274 = arith.constant 0 : i32
        %add3A_275 = arith.addi %mul3A_273, %add3A_274 : i32
        %mul3A_276 = arith.constant 16 : i32
        %mul3A_277 = arith.muli %add3A_275, %mul3A_276 : i32
        %get3A = arith.index_cast %mul3A_277 : i32 to index
        %get3A_278 = tpu.vector_load %arg10[%get3A] {strides = array<i32>} : memref<3200xi32, #tpu.memory_space<vmem>>, vector<16xi32>,
        %add3A_279 = arith.constant 1 : i32
        %add3A_280 = arith.addi %mul3A_273, %add3A_279 : i32
        %mul3A_281 = arith.constant 16 : i32
        %mul3A_282 = arith.muli %add3A_280, %mul3A_281 : i32
        %get3A_283 = arith.index_cast %mul3A_282 : i32 to index
        %get3A_284 = tpu.vector_load %arg10[%get3A_283] {strides = array<i32>} : memref<3200xi32, #tpu.memory_space<vmem>>, vector<16xi32>,
        %add3A_285 = arith.constant 2 : i32
        %add3A_286 = arith.addi %mul3A_273, %add3A_285 : i32
        %mul3A_287 = arith.constant 16 : i32
        %mul3A_288 = arith.muli %add3A_286, %mul3A_287 : i32
        %get3A_289 = arith.index_cast %mul3A_288 : i32 to index
        %get3A_290 = tpu.vector_load %arg10[%get3A_289] {strides = array<i32>} : memref<3200xi32, #tpu.memory_space<vmem>>, vector<16xi32>,
        %add3A_291 = arith.constant 3 : i32
        %add3A_292 = arith.addi %mul3A_273, %add3A_291 : i32
        %mul3A_293 = arith.constant 16 : i32
        %mul3A_294 = arith.muli %add3A_292, %mul3A_293 : i32
        %get3A_295 = arith.index_cast %mul3A_294 : i32 to index
        %get3A_296 = tpu.vector_load %arg10[%get3A_295] {strides = array<i32>} : memref<3200xi32, #tpu.memory_space<vmem>>, vector<16xi32>,
        %add3A_297 = arith.constant 4 : i32
        %add3A_298 = arith.addi %mul3A_273, %add3A_297 : i32
        %mul3A_299 = arith.constant 16 : i32
        %mul3A_300 = arith.muli %add3A_298, %mul3A_299 : i32
        %get3A_301 = arith.index_cast %mul3A_300 : i32 to index
        %get3A_302 = tpu.vector_load %arg10[%get3A_301] {strides = array<i32>} : memref<3200xi32, #tpu.memory_space<vmem>>, vector<16xi32>,
        %add3A_303 = arith.constant 5 : i32
        %add3A_304 = arith.addi %mul3A_273, %add3A_303 : i32
        %mul3A_305 = arith.constant 16 : i32
        %mul3A_306 = arith.muli %add3A_304, %mul3A_305 : i32
        %get3A_307 = arith.index_cast %mul3A_306 : i32 to index
        %get3A_308 = tpu.vector_load %arg10[%get3A_307] {strides = array<i32>} : memref<3200xi32, #tpu.memory_space<vmem>>, vector<16xi32>,
        %add3A_309 = arith.constant 6 : i32
        %add3A_310 = arith.addi %mul3A_273, %add3A_309 : i32
        %mul3A_311 = arith.constant 16 : i32
        %mul3A_312 = arith.muli %add3A_310, %mul3A_311 : i32
        %get3A_313 = arith.index_cast %mul3A_312 : i32 to index
        %get3A_314 = tpu.vector_load %arg10[%get3A_313] {strides = array<i32>} : memref<3200xi32, #tpu.memory_space<vmem>>, vector<16xi32>,
        %add3A_315 = arith.constant 7 : i32
        %add3A_316 = arith.addi %mul3A_273, %add3A_315 : i32
        %mul3A_317 = arith.constant 16 : i32
        %mul3A_318 = arith.muli %add3A_316, %mul3A_317 : i32
        %get3A_319 = arith.index_cast %mul3A_318 : i32 to index
        %get3A_320 = tpu.vector_load %arg10[%get3A_319] {strides = array<i32>} : memref<3200xi32, #tpu.memory_space<vmem>>, vector<16xi32>,
        %add3A_321 = arith.constant 8 : i32
        %add3A_322 = arith.addi %mul3A_273, %add3A_321 : i32
        %mul3A_323 = arith.constant 16 : i32
        %mul3A_324 = arith.muli %add3A_322, %mul3A_323 : i32
        %get3A_325 = arith.index_cast %mul3A_324 : i32 to index
        %get3A_326 = tpu.vector_load %arg10[%get3A_325] {strides = array<i32>} : memref<3200xi32, #tpu.memory_space<vmem>>, vector<16xi32>,
        %add3A_327 = arith.constant 9 : i32
        %add3A_328 = arith.addi %mul3A_273, %add3A_327 : i32
        %mul3A_329 = arith.constant 16 : i32
        %mul3A_330 = arith.muli %add3A_328, %mul3A_329 : i32
        %get3A_331 = arith.index_cast %mul3A_330 : i32 to index
        %get3A_332 = tpu.vector_load %arg10[%get3A_331] {strides = array<i32>} : memref<3200xi32, #tpu.memory_space<vmem>>, vector<16xi32>,
        %add3A_333 = arith.constant 0 : i32
        %add3A_334 = arith.addi %mul3A_273, %add3A_333 : i32
        %mul3A_335 = arith.constant 16 : i32
        %mul3A_336 = arith.muli %add3A_334, %mul3A_335 : i32
        %get3A_337 = arith.index_cast %mul3A_336 : i32 to index
        %get3A_338 = tpu.vector_load %arg11[%get3A_337] {strides = array<i32>} : memref<3200xf32, #tpu.memory_space<vmem>>, vector<16xf32>,
        %add3A_339 = arith.constant 1 : i32
        %add3A_340 = arith.addi %mul3A_273, %add3A_339 : i32
        %mul3A_341 = arith.constant 16 : i32
        %mul3A_342 = arith.muli %add3A_340, %mul3A_341 : i32
        %get3A_343 = arith.index_cast %mul3A_342 : i32 to index
        %get3A_344 = tpu.vector_load %arg11[%get3A_343] {strides = array<i32>} : memref<3200xf32, #tpu.memory_space<vmem>>, vector<16xf32>,
        %add3A_345 = arith.constant 2 : i32
        %add3A_346 = arith.addi %mul3A_273, %add3A_345 : i32
        %mul3A_347 = arith.constant 16 : i32
        %mul3A_348 = arith.muli %add3A_346, %mul3A_347 : i32
        %get3A_349 = arith.index_cast %mul3A_348 : i32 to index
        %get3A_350 = tpu.vector_load %arg11[%get3A_349] {strides = array<i32>} : memref<3200xf32, #tpu.memory_space<vmem>>, vector<16xf32>,
        %add3A_351 = arith.constant 3 : i32
        %add3A_352 = arith.addi %mul3A_273, %add3A_351 : i32
        %mul3A_353 = arith.constant 16 : i32
        %mul3A_354 = arith.muli %add3A_352, %mul3A_353 : i32
        %get3A_355 = arith.index_cast %mul3A_354 : i32 to index
        %get3A_356 = tpu.vector_load %arg11[%get3A_355] {strides = array<i32>} : memref<3200xf32, #tpu.memory_space<vmem>>, vector<16xf32>,
        %add3A_357 = arith.constant 4 : i32
        %add3A_358 = arith.addi %mul3A_273, %add3A_357 : i32
        %mul3A_359 = arith.constant 16 : i32
        %mul3A_360 = arith.muli %add3A_358, %mul3A_359 : i32
        %get3A_361 = arith.index_cast %mul3A_360 : i32 to index
        %get3A_362 = tpu.vector_load %arg11[%get3A_361] {strides = array<i32>} : memref<3200xf32, #tpu.memory_space<vmem>>, vector<16xf32>,
        %add3A_363 = arith.constant 5 : i32
        %add3A_364 = arith.addi %mul3A_273, %add3A_363 : i32
        %mul3A_365 = arith.constant 16 : i32
        %mul3A_366 = arith.muli %add3A_364, %mul3A_365 : i32
        %get3A_367 = arith.index_cast %mul3A_366 : i32 to index
        %get3A_368 = tpu.vector_load %arg11[%get3A_367] {strides = array<i32>} : memref<3200xf32, #tpu.memory_space<vmem>>, vector<16xf32>,
        %add3A_369 = arith.constant 6 : i32
        %add3A_370 = arith.addi %mul3A_273, %add3A_369 : i32
        %mul3A_371 = arith.constant 16 : i32
        %mul3A_372 = arith.muli %add3A_370, %mul3A_371 : i32
        %get3A_373 = arith.index_cast %mul3A_372 : i32 to index
        %get3A_374 = tpu.vector_load %arg11[%get3A_373] {strides = array<i32>} : memref<3200xf32, #tpu.memory_space<vmem>>, vector<16xf32>,
        %add3A_375 = arith.constant 7 : i32
        %add3A_376 = arith.addi %mul3A_273, %add3A_375 : i32
        %mul3A_377 = arith.constant 16 : i32
        %mul3A_378 = arith.muli %add3A_376, %mul3A_377 : i32
        %get3A_379 = arith.index_cast %mul3A_378 : i32 to index
        %get3A_380 = tpu.vector_load %arg11[%get3A_379] {strides = array<i32>} : memref<3200xf32, #tpu.memory_space<vmem>>, vector<16xf32>,
        %add3A_381 = arith.constant 8 : i32
        %add3A_382 = arith.addi %mul3A_273, %add3A_381 : i32
        %mul3A_383 = arith.constant 16 : i32
        %mul3A_384 = arith.muli %add3A_382, %mul3A_383 : i32
        %get3A_385 = arith.index_cast %mul3A_384 : i32 to index
        %get3A_386 = tpu.vector_load %arg11[%get3A_385] {strides = array<i32>} : memref<3200xf32, #tpu.memory_space<vmem>>, vector<16xf32>,
        %add3A_387 = arith.constant 9 : i32
        %add3A_388 = arith.addi %mul3A_273, %add3A_387 : i32
        %mul3A_389 = arith.constant 16 : i32
        %mul3A_390 = arith.muli %add3A_388, %mul3A_389 : i32
        %get3A_391 = arith.index_cast %mul3A_390 : i32 to index
        %get3A_392 = tpu.vector_load %arg11[%get3A_391] {strides = array<i32>} : memref<3200xf32, #tpu.memory_space<vmem>>, vector<16xf32>,
        %gather3A = tpu.vector_load_idx %arg8[%get3A_278] : memref<50048xf32, #tpu.memory_space<vmem>>[vector<16xi32>], vector<16xf32>,
        %gather3A_393 = tpu.vector_load_idx %arg9[%get3A_284] : memref<50048xf32, #tpu.memory_space<vmem>>[vector<16xi32>], vector<16xf32>,
        %gather3A_394 = tpu.vector_load_idx %arg8[%get3A_290] : memref<50048xf32, #tpu.memory_space<vmem>>[vector<16xi32>], vector<16xf32>,
        %gather3A_395 = tpu.vector_load_idx %arg9[%get3A_296] : memref<50048xf32, #tpu.memory_space<vmem>>[vector<16xi32>], vector<16xf32>,
        %gather3A_396 = tpu.vector_load_idx %arg8[%get3A_302] : memref<50048xf32, #tpu.memory_space<vmem>>[vector<16xi32>], vector<16xf32>,
        %gather3A_397 = tpu.vector_load_idx %arg9[%get3A_308] : memref<50048xf32, #tpu.memory_space<vmem>>[vector<16xi32>], vector<16xf32>,
        %gather3A_398 = tpu.vector_load_idx %arg8[%get3A_314] : memref<50048xf32, #tpu.memory_space<vmem>>[vector<16xi32>], vector<16xf32>,
        %gather3A_399 = tpu.vector_load_idx %arg9[%get3A_320] : memref<50048xf32, #tpu.memory_space<vmem>>[vector<16xi32>], vector<16xf32>,
        %gather3A_400 = tpu.vector_load_idx %arg8[%get3A_326] : memref<50048xf32, #tpu.memory_space<vmem>>[vector<16xi32>], vector<16xf32>,
        %gather3A_401 = tpu.vector_load_idx %arg9[%get3A_332] : memref<50048xf32, #tpu.memory_space<vmem>>[vector<16xi32>], vector<16xf32>,
        %while3A:10 = scf.while (%while3A_403 = %gather3A, %while3A_404 = %gather3A_393, %while3A_405 = %gather3A_394, %while3A_406 = %gather3A_395, %while3A_407 = %gather3A_396, %while3A_408 = %gather3A_397, %while3A_409 = %gather3A_398, %while3A_410 = %gather3A_399, %while3A_411 = %gather3A_400, %while3A_412 = %gather3A_401) : (vector<16xf32>, vector<16xf32>, vector<16xf32>, vector<16xf32>, vector<16xf32>, vector<16xf32>, vector<16xf32>, vector<16xf32>, vector<16xf32>, vector<16xf32>) -> (vector<16xf32>, vector<16xf32>, vector<16xf32>, vector<16xf32>, vector<16xf32>, vector<16xf32>, vector<16xf32>, vector<16xf32>, vector<16xf32>, vector<16xf32>) {
          %gt3A = arith.cmpf ogt, %get3A_338, %while3A_403 : vector<16xf32>
          %gt3A_413 = arith.cmpf ogt, %get3A_344, %while3A_404 : vector<16xf32>
          %or3A = arith.ori %gt3A, %gt3A_413 : vector<16xi1>
          %gt3A_414 = arith.cmpf ogt, %get3A_350, %while3A_405 : vector<16xf32>
          %or3A_415 = arith.ori %or3A, %gt3A_414 : vector<16xi1>
          %gt3A_416 = arith.cmpf ogt, %get3A_356, %while3A_406 : vector<16xf32>
          %or3A_417 = arith.ori %or3A_415, %gt3A_416 : vector<16xi1>
          %gt3A_418 = arith.cmpf ogt, %get3A_362, %while3A_407 : vector<16xf32>
          %or3A_419 = arith.ori %or3A_417, %gt3A_418 : vector<16xi1>
          %gt3A_420 = arith.cmpf ogt, %get3A_368, %while3A_408 : vector<16xf32>
          %or3A_421 = arith.ori %or3A_419, %gt3A_420 : vector<16xi1>
          %gt3A_422 = arith.cmpf ogt, %get3A_374, %while3A_409 : vector<16xf32>
          %or3A_423 = arith.ori %or3A_421, %gt3A_422 : vector<16xi1>
          %gt3A_424 = arith.cmpf ogt, %get3A_380, %while3A_410 : vector<16xf32>
          %or3A_425 = arith.ori %or3A_423, %gt3A_424 : vector<16xi1>
          %gt3A_426 = arith.cmpf ogt, %get3A_386, %while3A_411 : vector<16xf32>
          %or3A_427 = arith.ori %or3A_425, %gt3A_426 : vector<16xi1>
          %gt3A_428 = arith.cmpf ogt, %get3A_392, %while3A_412 : vector<16xf32>
          %or3A_429 = arith.ori %or3A_427, %gt3A_428 : vector<16xi1>
          %reduce_or3A = arith.constant 1.000000e+00 : f32
          %reduce_or3A_430 = arith.constant 0.000000e+00 : f32
          %reduce_or3A_431 = vector.broadcast %reduce_or3A : f32 to vector<16xf32>
          %reduce_or3A_432 = vector.broadcast %reduce_or3A_430 : f32 to vector<16xf32>
          %reduce_or3A_433 = arith.select %or3A_429, %reduce_or3A_431, %reduce_or3A_432 : vector<16xi1>, vector<16xf32>
          %reduce_or3A_434 = arith.constant true
          %reduce_or3A_435 = vector.broadcast %reduce_or3A_434 : i1 to vector<16xi1>
          %reduce_or3A_436 = tpu.scan <max>, %reduce_or3A_433 masked %reduce_or3A_435 : vector<16xf32>, vector<16xi1> -> vector<16xf32>
          %reduce_or3A_437 = vector.extract %reduce_or3A_436[15] : f32 from vector<16xf32>
          %reduce_or3A_438 = arith.constant 0.000000e+00 : f32
          %reduce_or3A_439 = arith.cmpf ogt, %reduce_or3A_437, %reduce_or3A_438 : f32
          scf.condition(%reduce_or3A_439) %while3A_403, %while3A_404, %while3A_405, %while3A_406, %while3A_407, %while3A_408, %while3A_409, %while3A_410, %while3A_411, %while3A_412 : vector<16xf32>, vector<16xf32>, vector<16xf32>, vector<16xf32>, vector<16xf32>, vector<16xf32>, vector<16xf32>, vector<16xf32>, vector<16xf32>, vector<16xf32>
        } do {
        ^bb0(%while3A_403: vector<16xf32>, %while3A_404: vector<16xf32>, %while3A_405: vector<16xf32>, %while3A_406: vector<16xf32>, %while3A_407: vector<16xf32>, %while3A_408: vector<16xf32>, %while3A_409: vector<16xf32>, %while3A_410: vector<16xf32>, %while3A_411: vector<16xf32>, %while3A_412: vector<16xf32>):
          %gt3A = arith.cmpf ogt, %get3A_338, %while3A_403 : vector<16xf32>
          tpu.vector_store_idx %arg8[%get3A_278], %get3A_338 masked %gt3A : memref<50048xf32, #tpu.memory_space<vmem>>[vector<16xi32>], vector<16xf32>, vector<16xi1>
          %gt3A_413 = arith.cmpf ogt, %get3A_344, %while3A_404 : vector<16xf32>
          tpu.vector_store_idx %arg9[%get3A_284], %get3A_344 masked %gt3A_413 : memref<50048xf32, #tpu.memory_space<vmem>>[vector<16xi32>], vector<16xf32>, vector<16xi1>
          %gt3A_414 = arith.cmpf ogt, %get3A_350, %while3A_405 : vector<16xf32>
          tpu.vector_store_idx %arg8[%get3A_290], %get3A_350 masked %gt3A_414 : memref<50048xf32, #tpu.memory_space<vmem>>[vector<16xi32>], vector<16xf32>, vector<16xi1>
          %gt3A_415 = arith.cmpf ogt, %get3A_356, %while3A_406 : vector<16xf32>
          tpu.vector_store_idx %arg9[%get3A_296], %get3A_356 masked %gt3A_415 : memref<50048xf32, #tpu.memory_space<vmem>>[vector<16xi32>], vector<16xf32>, vector<16xi1>
          %gt3A_416 = arith.cmpf ogt, %get3A_362, %while3A_407 : vector<16xf32>
          tpu.vector_store_idx %arg8[%get3A_302], %get3A_362 masked %gt3A_416 : memref<50048xf32, #tpu.memory_space<vmem>>[vector<16xi32>], vector<16xf32>, vector<16xi1>
          %gt3A_417 = arith.cmpf ogt, %get3A_368, %while3A_408 : vector<16xf32>
          tpu.vector_store_idx %arg9[%get3A_308], %get3A_368 masked %gt3A_417 : memref<50048xf32, #tpu.memory_space<vmem>>[vector<16xi32>], vector<16xf32>, vector<16xi1>
          %gt3A_418 = arith.cmpf ogt, %get3A_374, %while3A_409 : vector<16xf32>
          tpu.vector_store_idx %arg8[%get3A_314], %get3A_374 masked %gt3A_418 : memref<50048xf32, #tpu.memory_space<vmem>>[vector<16xi32>], vector<16xf32>, vector<16xi1>
          %gt3A_419 = arith.cmpf ogt, %get3A_380, %while3A_410 : vector<16xf32>
          tpu.vector_store_idx %arg9[%get3A_320], %get3A_380 masked %gt3A_419 : memref<50048xf32, #tpu.memory_space<vmem>>[vector<16xi32>], vector<16xf32>, vector<16xi1>
          %gt3A_420 = arith.cmpf ogt, %get3A_386, %while3A_411 : vector<16xf32>
          tpu.vector_store_idx %arg8[%get3A_326], %get3A_386 masked %gt3A_420 : memref<50048xf32, #tpu.memory_space<vmem>>[vector<16xi32>], vector<16xf32>, vector<16xi1>
          %gt3A_421 = arith.cmpf ogt, %get3A_392, %while3A_412 : vector<16xf32>
          tpu.vector_store_idx %arg9[%get3A_332], %get3A_392 masked %gt3A_421 : memref<50048xf32, #tpu.memory_space<vmem>>[vector<16xi32>], vector<16xf32>, vector<16xi1>
          %gather3A_422 = tpu.vector_load_idx %arg8[%get3A_278] : memref<50048xf32, #tpu.memory_space<vmem>>[vector<16xi32>], vector<16xf32>,
          %gather3A_423 = tpu.vector_load_idx %arg9[%get3A_284] : memref<50048xf32, #tpu.memory_space<vmem>>[vector<16xi32>], vector<16xf32>,
          %gather3A_424 = tpu.vector_load_idx %arg8[%get3A_290] : memref<50048xf32, #tpu.memory_space<vmem>>[vector<16xi32>], vector<16xf32>,
          %gather3A_425 = tpu.vector_load_idx %arg9[%get3A_296] : memref<50048xf32, #tpu.memory_space<vmem>>[vector<16xi32>], vector<16xf32>,
          %gather3A_426 = tpu.vector_load_idx %arg8[%get3A_302] : memref<50048xf32, #tpu.memory_space<vmem>>[vector<16xi32>], vector<16xf32>,
          %gather3A_427 = tpu.vector_load_idx %arg9[%get3A_308] : memref<50048xf32, #tpu.memory_space<vmem>>[vector<16xi32>], vector<16xf32>,
          %gather3A_428 = tpu.vector_load_idx %arg8[%get3A_314] : memref<50048xf32, #tpu.memory_space<vmem>>[vector<16xi32>], vector<16xf32>,
          %gather3A_429 = tpu.vector_load_idx %arg9[%get3A_320] : memref<50048xf32, #tpu.memory_space<vmem>>[vector<16xi32>], vector<16xf32>,
          %gather3A_430 = tpu.vector_load_idx %arg8[%get3A_326] : memref<50048xf32, #tpu.memory_space<vmem>>[vector<16xi32>], vector<16xf32>,
          %gather3A_431 = tpu.vector_load_idx %arg9[%get3A_332] : memref<50048xf32, #tpu.memory_space<vmem>>[vector<16xi32>], vector<16xf32>,
          scf.yield %gather3A_422, %gather3A_423, %gather3A_424, %gather3A_425, %gather3A_426, %gather3A_427, %gather3A_428, %gather3A_429, %gather3A_430, %gather3A_431 : vector<16xf32>, vector<16xf32>, vector<16xf32>, vector<16xf32>, vector<16xf32>, vector<16xf32>, vector<16xf32>, vector<16xf32>, vector<16xf32>, vector<16xf32>
        }
        %scan3A_402 = arith.constant 0 : i32
        scf.yield %scan3A_402 : i32
      }
      %scan3A_268 = arith.constant 20 : i32
      %scan3A_269 = arith.constant 0 : i32
      scf.yield %scan3A_269 : i32
    }
    %scan3A_46 = arith.constant 125 : i32
    %mul3A_47 = arith.constant 50048 : i32
    %mul3A_48 = arith.muli %add3A_33, %mul3A_47 : i32
    "tpu.region"() ({
      %run_scoped3A = tpu.sem_alloc : memref<!tpu.dma_semaphore, #tpu.memory_space<semaphore_mem>>
      %dma_start3A = tpu.memref_slice %arg6[%mul3A_48] : memref<3203072xf32, #tpu.memory_space<hbm>> -> memref<50048xf32, #tpu.memory_space<hbm>>
      %dma_start3A_252 = tpu.memref_slice %arg6[%mul3A_48] : memref<3203072xf32, #tpu.memory_space<hbm>> -> memref<50048xf32, #tpu.memory_space<hbm>>
      tpu.enqueue_dma source(%arg8 : memref<50048xf32, #tpu.memory_space<vmem>>) target(%dma_start3A_252 : memref<50048xf32, #tpu.memory_space<hbm>>) target_semaphore(%run_scoped3A : memref<!tpu.dma_semaphore, #tpu.memory_space<semaphore_mem>>)
      %dma_wait3A = tpu.memref_slice %arg6[%mul3A_48] : memref<3203072xf32, #tpu.memory_space<hbm>> -> memref<50048xf32, #tpu.memory_space<hbm>>
      %dma_wait3A_253 = tpu.memref_slice %arg6[%mul3A_48] : memref<3203072xf32, #tpu.memory_space<hbm>> -> memref<50048xf32, #tpu.memory_space<hbm>>
      tpu.wait_dma2 semaphore(%run_scoped3A : memref<!tpu.dma_semaphore, #tpu.memory_space<semaphore_mem>>) src(%arg8 : memref<50048xf32, #tpu.memory_space<vmem>>) dst(%dma_wait3A_253 : memref<50048xf32, #tpu.memory_space<hbm>>)
      tpu.yield
    }) : () -> ()
    %add3A_49 = arith.constant 32 : i32
    %add3A_50 = arith.addi %add3A_49, %add3A_33 : i32
    %mul3A_51 = arith.constant 50048 : i32
    %mul3A_52 = arith.muli %add3A_50, %mul3A_51 : i32
    "tpu.region"() ({
      %run_scoped3A = tpu.sem_alloc : memref<!tpu.dma_semaphore, #tpu.memory_space<semaphore_mem>>
      %dma_start3A = tpu.memref_slice %arg6[%mul3A_52] : memref<3203072xf32, #tpu.memory_space<hbm>> -> memref<50048xf32, #tpu.memory_space<hbm>>
      %dma_start3A_252 = tpu.memref_slice %arg6[%mul3A_52] : memref<3203072xf32, #tpu.memory_space<hbm>> -> memref<50048xf32, #tpu.memory_space<hbm>>
      tpu.enqueue_dma source(%arg9 : memref<50048xf32, #tpu.memory_space<vmem>>) target(%dma_start3A_252 : memref<50048xf32, #tpu.memory_space<hbm>>) target_semaphore(%run_scoped3A : memref<!tpu.dma_semaphore, #tpu.memory_space<semaphore_mem>>)
      %dma_wait3A = tpu.memref_slice %arg6[%mul3A_52] : memref<3203072xf32, #tpu.memory_space<hbm>> -> memref<50048xf32, #tpu.memory_space<hbm>>
      %dma_wait3A_253 = tpu.memref_slice %arg6[%mul3A_52] : memref<3203072xf32, #tpu.memory_space<hbm>> -> memref<50048xf32, #tpu.memory_space<hbm>>
      tpu.wait_dma2 semaphore(%run_scoped3A : memref<!tpu.dma_semaphore, #tpu.memory_space<semaphore_mem>>) src(%arg9 : memref<50048xf32, #tpu.memory_space<vmem>>) dst(%dma_wait3A_253 : memref<50048xf32, #tpu.memory_space<hbm>>)
      tpu.yield
    }) : () -> ()
    %barrier3A = arith.constant 0 : index
    tpu.barrier barrier_id(%barrier3A)
    %mul3A_53 = arith.constant 16 : i32
    %mul3A_54 = arith.muli %arg0, %mul3A_53 : i32
    %mul3A_55 = arith.constant 4 : i32
    %mul3A_56 = arith.muli %select_n3A, %mul3A_55 : i32
    %add3A_57 = arith.addi %mul3A_54, %mul3A_56 : i32
    %add3A_58 = arith.constant 0 : i32
    %add3A_59 = arith.addi %add3A_57, %add3A_58 : i32
    %add3A_60 = arith.constant 1 : i32
    %add3A_61 = arith.addi %add3A_57, %add3A_60 : i32
    %add3A_62 = arith.constant 2 : i32
    %add3A_63 = arith.addi %add3A_57, %add3A_62 : i32
    %add3A_64 = arith.constant 3 : i32
    %add3A_65 = arith.addi %add3A_57, %add3A_64 : i32
    %add3A_66 = arith.constant 32 : i32
    %add3A_67 = arith.addi %add3A_66, %add3A_57 : i32
    %add3A_68 = arith.constant 0 : i32
    %add3A_69 = arith.addi %add3A_67, %add3A_68 : i32
    %add3A_70 = arith.constant 32 : i32
    %add3A_71 = arith.addi %add3A_70, %add3A_57 : i32
    %add3A_72 = arith.constant 1 : i32
    %add3A_73 = arith.addi %add3A_71, %add3A_72 : i32
    %add3A_74 = arith.constant 32 : i32
    %add3A_75 = arith.addi %add3A_74, %add3A_57 : i32
    %add3A_76 = arith.constant 2 : i32
    %add3A_77 = arith.addi %add3A_75, %add3A_76 : i32
    %add3A_78 = arith.constant 32 : i32
    %add3A_79 = arith.addi %add3A_78, %add3A_57 : i32
    %add3A_80 = arith.constant 3 : i32
    %add3A_81 = arith.addi %add3A_79, %add3A_80 : i32
    %mul3A_82 = arith.constant 12512 : i32
    %mul3A_83 = arith.muli %select_n3A_30, %mul3A_82 : i32
    %add3A_84 = arith.constant 0 : i32
    %add3A_85 = arith.addi %mul3A_83, %add3A_84 : i32
    %mul3A_86 = arith.constant 50048 : i32
    %mul3A_87 = arith.muli %add3A_59, %mul3A_86 : i32
    %add3A_88 = arith.addi %mul3A_87, %add3A_85 : i32
    "tpu.region"() ({
      %run_scoped3A = tpu.sem_alloc : memref<!tpu.dma_semaphore, #tpu.memory_space<semaphore_mem>>
      %dma_start3A = tpu.memref_slice %arg6[%add3A_88] : memref<3203072xf32, #tpu.memory_space<hbm>> -> memref<6256xf32, #tpu.memory_space<hbm>>
      %dma_start3A_252 = tpu.memref_slice %arg6[%add3A_88] : memref<3203072xf32, #tpu.memory_space<hbm>> -> memref<6256xf32, #tpu.memory_space<hbm>>
      tpu.enqueue_dma source(%dma_start3A_252 : memref<6256xf32, #tpu.memory_space<hbm>>) target(%arg14 : memref<6256xf32, #tpu.memory_space<vmem>>) target_semaphore(%run_scoped3A : memref<!tpu.dma_semaphore, #tpu.memory_space<semaphore_mem>>)
      %dma_wait3A = tpu.memref_slice %arg6[%add3A_88] : memref<3203072xf32, #tpu.memory_space<hbm>> -> memref<6256xf32, #tpu.memory_space<hbm>>
      %dma_wait3A_253 = tpu.memref_slice %arg6[%add3A_88] : memref<3203072xf32, #tpu.memory_space<hbm>> -> memref<6256xf32, #tpu.memory_space<hbm>>
      tpu.wait_dma2 semaphore(%run_scoped3A : memref<!tpu.dma_semaphore, #tpu.memory_space<semaphore_mem>>) src(%dma_wait3A_253 : memref<6256xf32, #tpu.memory_space<hbm>>) dst(%arg14 : memref<6256xf32, #tpu.memory_space<vmem>>)
      tpu.yield
    }) : () -> ()
    %mul3A_89 = arith.constant 50048 : i32
    %mul3A_90 = arith.muli %add3A_61, %mul3A_89 : i32
    %add3A_91 = arith.addi %mul3A_90, %add3A_85 : i32
    "tpu.region"() ({
      %run_scoped3A = tpu.sem_alloc : memref<!tpu.dma_semaphore, #tpu.memory_space<semaphore_mem>>
      %dma_start3A = tpu.memref_slice %arg6[%add3A_91] : memref<3203072xf32, #tpu.memory_space<hbm>> -> memref<6256xf32, #tpu.memory_space<hbm>>
      %dma_start3A_252 = tpu.memref_slice %arg6[%add3A_91] : memref<3203072xf32, #tpu.memory_space<hbm>> -> memref<6256xf32, #tpu.memory_space<hbm>>
      tpu.enqueue_dma source(%dma_start3A_252 : memref<6256xf32, #tpu.memory_space<hbm>>) target(%arg15 : memref<6256xf32, #tpu.memory_space<vmem>>) target_semaphore(%run_scoped3A : memref<!tpu.dma_semaphore, #tpu.memory_space<semaphore_mem>>)
      %dma_wait3A = tpu.memref_slice %arg6[%add3A_91] : memref<3203072xf32, #tpu.memory_space<hbm>> -> memref<6256xf32, #tpu.memory_space<hbm>>
      %dma_wait3A_253 = tpu.memref_slice %arg6[%add3A_91] : memref<3203072xf32, #tpu.memory_space<hbm>> -> memref<6256xf32, #tpu.memory_space<hbm>>
      tpu.wait_dma2 semaphore(%run_scoped3A : memref<!tpu.dma_semaphore, #tpu.memory_space<semaphore_mem>>) src(%dma_wait3A_253 : memref<6256xf32, #tpu.memory_space<hbm>>) dst(%arg15 : memref<6256xf32, #tpu.memory_space<vmem>>)
      tpu.yield
    }) : () -> ()
    %scan3A_92 = arith.constant 0 : i32
    %scan3A_93 = arith.constant 0 : i32
    %scan3A_94 = arith.constant 391 : i32
    %scan3A_95 = arith.addi %scan3A_93, %scan3A_94 : i32
    %scan3A_96 = arith.constant 1 : i32
    %scan3A_97 = scf.for %scan3A_252 = %scan3A_93 to %scan3A_95 step %scan3A_96 iter_args(%scan3A_253 = %scan3A_92) -> (i32)  : i32 {
      %mul3A_254 = arith.constant 16 : i32
      %mul3A_255 = arith.muli %scan3A_252, %mul3A_254 : i32
      %get3A = arith.index_cast %mul3A_255 : i32 to index
      %get3A_256 = tpu.vector_load %arg14[%get3A] {strides = array<i32>} : memref<6256xf32, #tpu.memory_space<vmem>>, vector<16xf32>,
      %get3A_257 = arith.index_cast %mul3A_255 : i32 to index
      %get3A_258 = tpu.vector_load %arg15[%get3A_257] {strides = array<i32>} : memref<6256xf32, #tpu.memory_space<vmem>>, vector<16xf32>,
      %max3A = arith.maximumf %get3A_256, %get3A_258 : vector<16xf32>
      %swap3A = arith.index_cast %mul3A_255 : i32 to index
      %swap3A_259 = tpu.vector_load %arg14[%swap3A] {strides = array<i32>} : memref<6256xf32, #tpu.memory_space<vmem>>, vector<16xf32>,
      tpu.vector_store %arg14[%swap3A], %max3A {strides = array<i32>} : memref<6256xf32, #tpu.memory_space<vmem>>, vector<16xf32>,
      %scan3A_260 = arith.constant 0 : i32
      scf.yield %scan3A_260 : i32
    }
    %scan3A_98 = arith.constant 391 : i32
    %mul3A_99 = arith.constant 50048 : i32
    %mul3A_100 = arith.muli %add3A_63, %mul3A_99 : i32
    %add3A_101 = arith.addi %mul3A_100, %add3A_85 : i32
    "tpu.region"() ({
      %run_scoped3A = tpu.sem_alloc : memref<!tpu.dma_semaphore, #tpu.memory_space<semaphore_mem>>
      %dma_start3A = tpu.memref_slice %arg6[%add3A_101] : memref<3203072xf32, #tpu.memory_space<hbm>> -> memref<6256xf32, #tpu.memory_space<hbm>>
      %dma_start3A_252 = tpu.memref_slice %arg6[%add3A_101] : memref<3203072xf32, #tpu.memory_space<hbm>> -> memref<6256xf32, #tpu.memory_space<hbm>>
      tpu.enqueue_dma source(%dma_start3A_252 : memref<6256xf32, #tpu.memory_space<hbm>>) target(%arg15 : memref<6256xf32, #tpu.memory_space<vmem>>) target_semaphore(%run_scoped3A : memref<!tpu.dma_semaphore, #tpu.memory_space<semaphore_mem>>)
      %dma_wait3A = tpu.memref_slice %arg6[%add3A_101] : memref<3203072xf32, #tpu.memory_space<hbm>> -> memref<6256xf32, #tpu.memory_space<hbm>>
      %dma_wait3A_253 = tpu.memref_slice %arg6[%add3A_101] : memref<3203072xf32, #tpu.memory_space<hbm>> -> memref<6256xf32, #tpu.memory_space<hbm>>
      tpu.wait_dma2 semaphore(%run_scoped3A : memref<!tpu.dma_semaphore, #tpu.memory_space<semaphore_mem>>) src(%dma_wait3A_253 : memref<6256xf32, #tpu.memory_space<hbm>>) dst(%arg15 : memref<6256xf32, #tpu.memory_space<vmem>>)
      tpu.yield
    }) : () -> ()
    %scan3A_102 = arith.constant 0 : i32
    %scan3A_103 = arith.constant 0 : i32
    %scan3A_104 = arith.constant 391 : i32
    %scan3A_105 = arith.addi %scan3A_103, %scan3A_104 : i32
    %scan3A_106 = arith.constant 1 : i32
    %scan3A_107 = scf.for %scan3A_252 = %scan3A_103 to %scan3A_105 step %scan3A_106 iter_args(%scan3A_253 = %scan3A_102) -> (i32)  : i32 {
      %mul3A_254 = arith.constant 16 : i32
      %mul3A_255 = arith.muli %scan3A_252, %mul3A_254 : i32
      %get3A = arith.index_cast %mul3A_255 : i32 to index
      %get3A_256 = tpu.vector_load %arg14[%get3A] {strides = array<i32>} : memref<6256xf32, #tpu.memory_space<vmem>>, vector<16xf32>,
      %get3A_257 = arith.index_cast %mul3A_255 : i32 to index
      %get3A_258 = tpu.vector_load %arg15[%get3A_257] {strides = array<i32>} : memref<6256xf32, #tpu.memory_space<vmem>>, vector<16xf32>,
      %max3A = arith.maximumf %get3A_256, %get3A_258 : vector<16xf32>
      %swap3A = arith.index_cast %mul3A_255 : i32 to index
      %swap3A_259 = tpu.vector_load %arg14[%swap3A] {strides = array<i32>} : memref<6256xf32, #tpu.memory_space<vmem>>, vector<16xf32>,
      tpu.vector_store %arg14[%swap3A], %max3A {strides = array<i32>} : memref<6256xf32, #tpu.memory_space<vmem>>, vector<16xf32>,
      %scan3A_260 = arith.constant 0 : i32
      scf.yield %scan3A_260 : i32
    }
    %scan3A_108 = arith.constant 391 : i32
    %mul3A_109 = arith.constant 50048 : i32
    %mul3A_110 = arith.muli %add3A_65, %mul3A_109 : i32
    %add3A_111 = arith.addi %mul3A_110, %add3A_85 : i32
    "tpu.region"() ({
      %run_scoped3A = tpu.sem_alloc : memref<!tpu.dma_semaphore, #tpu.memory_space<semaphore_mem>>
      %dma_start3A = tpu.memref_slice %arg6[%add3A_111] : memref<3203072xf32, #tpu.memory_space<hbm>> -> memref<6256xf32, #tpu.memory_space<hbm>>
      %dma_start3A_252 = tpu.memref_slice %arg6[%add3A_111] : memref<3203072xf32, #tpu.memory_space<hbm>> -> memref<6256xf32, #tpu.memory_space<hbm>>
      tpu.enqueue_dma source(%dma_start3A_252 : memref<6256xf32, #tpu.memory_space<hbm>>) target(%arg15 : memref<6256xf32, #tpu.memory_space<vmem>>) target_semaphore(%run_scoped3A : memref<!tpu.dma_semaphore, #tpu.memory_space<semaphore_mem>>)
      %dma_wait3A = tpu.memref_slice %arg6[%add3A_111] : memref<3203072xf32, #tpu.memory_space<hbm>> -> memref<6256xf32, #tpu.memory_space<hbm>>
      %dma_wait3A_253 = tpu.memref_slice %arg6[%add3A_111] : memref<3203072xf32, #tpu.memory_space<hbm>> -> memref<6256xf32, #tpu.memory_space<hbm>>
      tpu.wait_dma2 semaphore(%run_scoped3A : memref<!tpu.dma_semaphore, #tpu.memory_space<semaphore_mem>>) src(%dma_wait3A_253 : memref<6256xf32, #tpu.memory_space<hbm>>) dst(%arg15 : memref<6256xf32, #tpu.memory_space<vmem>>)
      tpu.yield
    }) : () -> ()
    %scan3A_112 = arith.constant 0 : i32
    %scan3A_113 = arith.constant 0 : i32
    %scan3A_114 = arith.constant 391 : i32
    %scan3A_115 = arith.addi %scan3A_113, %scan3A_114 : i32
    %scan3A_116 = arith.constant 1 : i32
    %scan3A_117 = scf.for %scan3A_252 = %scan3A_113 to %scan3A_115 step %scan3A_116 iter_args(%scan3A_253 = %scan3A_112) -> (i32)  : i32 {
      %mul3A_254 = arith.constant 16 : i32
      %mul3A_255 = arith.muli %scan3A_252, %mul3A_254 : i32
      %get3A = arith.index_cast %mul3A_255 : i32 to index
      %get3A_256 = tpu.vector_load %arg14[%get3A] {strides = array<i32>} : memref<6256xf32, #tpu.memory_space<vmem>>, vector<16xf32>,
      %get3A_257 = arith.index_cast %mul3A_255 : i32 to index
      %get3A_258 = tpu.vector_load %arg15[%get3A_257] {strides = array<i32>} : memref<6256xf32, #tpu.memory_space<vmem>>, vector<16xf32>,
      %max3A = arith.maximumf %get3A_256, %get3A_258 : vector<16xf32>
      %swap3A = arith.index_cast %mul3A_255 : i32 to index
      %swap3A_259 = tpu.vector_load %arg14[%swap3A] {strides = array<i32>} : memref<6256xf32, #tpu.memory_space<vmem>>, vector<16xf32>,
      tpu.vector_store %arg14[%swap3A], %max3A {strides = array<i32>} : memref<6256xf32, #tpu.memory_space<vmem>>, vector<16xf32>,
      %scan3A_260 = arith.constant 0 : i32
      scf.yield %scan3A_260 : i32
    }
    %scan3A_118 = arith.constant 391 : i32
    %mul3A_119 = arith.constant 50048 : i32
    %mul3A_120 = arith.muli %add3A_69, %mul3A_119 : i32
    %add3A_121 = arith.addi %mul3A_120, %add3A_85 : i32
    "tpu.region"() ({
      %run_scoped3A = tpu.sem_alloc : memref<!tpu.dma_semaphore, #tpu.memory_space<semaphore_mem>>
      %dma_start3A = tpu.memref_slice %arg6[%add3A_121] : memref<3203072xf32, #tpu.memory_space<hbm>> -> memref<6256xf32, #tpu.memory_space<hbm>>
      %dma_start3A_252 = tpu.memref_slice %arg6[%add3A_121] : memref<3203072xf32, #tpu.memory_space<hbm>> -> memref<6256xf32, #tpu.memory_space<hbm>>
      tpu.enqueue_dma source(%dma_start3A_252 : memref<6256xf32, #tpu.memory_space<hbm>>) target(%arg15 : memref<6256xf32, #tpu.memory_space<vmem>>) target_semaphore(%run_scoped3A : memref<!tpu.dma_semaphore, #tpu.memory_space<semaphore_mem>>)
      %dma_wait3A = tpu.memref_slice %arg6[%add3A_121] : memref<3203072xf32, #tpu.memory_space<hbm>> -> memref<6256xf32, #tpu.memory_space<hbm>>
      %dma_wait3A_253 = tpu.memref_slice %arg6[%add3A_121] : memref<3203072xf32, #tpu.memory_space<hbm>> -> memref<6256xf32, #tpu.memory_space<hbm>>
      tpu.wait_dma2 semaphore(%run_scoped3A : memref<!tpu.dma_semaphore, #tpu.memory_space<semaphore_mem>>) src(%dma_wait3A_253 : memref<6256xf32, #tpu.memory_space<hbm>>) dst(%arg15 : memref<6256xf32, #tpu.memory_space<vmem>>)
      tpu.yield
    }) : () -> ()
    %scan3A_122 = arith.constant 0 : i32
    %scan3A_123 = arith.constant 0 : i32
    %scan3A_124 = arith.constant 391 : i32
    %scan3A_125 = arith.addi %scan3A_123, %scan3A_124 : i32
    %scan3A_126 = arith.constant 1 : i32
    %scan3A_127 = scf.for %scan3A_252 = %scan3A_123 to %scan3A_125 step %scan3A_126 iter_args(%scan3A_253 = %scan3A_122) -> (i32)  : i32 {
      %mul3A_254 = arith.constant 16 : i32
      %mul3A_255 = arith.muli %scan3A_252, %mul3A_254 : i32
      %get3A = arith.index_cast %mul3A_255 : i32 to index
      %get3A_256 = tpu.vector_load %arg14[%get3A] {strides = array<i32>} : memref<6256xf32, #tpu.memory_space<vmem>>, vector<16xf32>,
      %get3A_257 = arith.index_cast %mul3A_255 : i32 to index
      %get3A_258 = tpu.vector_load %arg15[%get3A_257] {strides = array<i32>} : memref<6256xf32, #tpu.memory_space<vmem>>, vector<16xf32>,
      %max3A = arith.maximumf %get3A_256, %get3A_258 : vector<16xf32>
      %swap3A = arith.index_cast %mul3A_255 : i32 to index
      %swap3A_259 = tpu.vector_load %arg14[%swap3A] {strides = array<i32>} : memref<6256xf32, #tpu.memory_space<vmem>>, vector<16xf32>,
      tpu.vector_store %arg14[%swap3A], %max3A {strides = array<i32>} : memref<6256xf32, #tpu.memory_space<vmem>>, vector<16xf32>,
      %scan3A_260 = arith.constant 0 : i32
      scf.yield %scan3A_260 : i32
    }
    %scan3A_128 = arith.constant 391 : i32
    %mul3A_129 = arith.constant 50048 : i32
    %mul3A_130 = arith.muli %add3A_73, %mul3A_129 : i32
    %add3A_131 = arith.addi %mul3A_130, %add3A_85 : i32
    "tpu.region"() ({
      %run_scoped3A = tpu.sem_alloc : memref<!tpu.dma_semaphore, #tpu.memory_space<semaphore_mem>>
      %dma_start3A = tpu.memref_slice %arg6[%add3A_131] : memref<3203072xf32, #tpu.memory_space<hbm>> -> memref<6256xf32, #tpu.memory_space<hbm>>
      %dma_start3A_252 = tpu.memref_slice %arg6[%add3A_131] : memref<3203072xf32, #tpu.memory_space<hbm>> -> memref<6256xf32, #tpu.memory_space<hbm>>
      tpu.enqueue_dma source(%dma_start3A_252 : memref<6256xf32, #tpu.memory_space<hbm>>) target(%arg15 : memref<6256xf32, #tpu.memory_space<vmem>>) target_semaphore(%run_scoped3A : memref<!tpu.dma_semaphore, #tpu.memory_space<semaphore_mem>>)
      %dma_wait3A = tpu.memref_slice %arg6[%add3A_131] : memref<3203072xf32, #tpu.memory_space<hbm>> -> memref<6256xf32, #tpu.memory_space<hbm>>
      %dma_wait3A_253 = tpu.memref_slice %arg6[%add3A_131] : memref<3203072xf32, #tpu.memory_space<hbm>> -> memref<6256xf32, #tpu.memory_space<hbm>>
      tpu.wait_dma2 semaphore(%run_scoped3A : memref<!tpu.dma_semaphore, #tpu.memory_space<semaphore_mem>>) src(%dma_wait3A_253 : memref<6256xf32, #tpu.memory_space<hbm>>) dst(%arg15 : memref<6256xf32, #tpu.memory_space<vmem>>)
      tpu.yield
    }) : () -> ()
    %scan3A_132 = arith.constant 0 : i32
    %scan3A_133 = arith.constant 0 : i32
    %scan3A_134 = arith.constant 391 : i32
    %scan3A_135 = arith.addi %scan3A_133, %scan3A_134 : i32
    %scan3A_136 = arith.constant 1 : i32
    %scan3A_137 = scf.for %scan3A_252 = %scan3A_133 to %scan3A_135 step %scan3A_136 iter_args(%scan3A_253 = %scan3A_132) -> (i32)  : i32 {
      %mul3A_254 = arith.constant 16 : i32
      %mul3A_255 = arith.muli %scan3A_252, %mul3A_254 : i32
      %get3A = arith.index_cast %mul3A_255 : i32 to index
      %get3A_256 = tpu.vector_load %arg14[%get3A] {strides = array<i32>} : memref<6256xf32, #tpu.memory_space<vmem>>, vector<16xf32>,
      %get3A_257 = arith.index_cast %mul3A_255 : i32 to index
      %get3A_258 = tpu.vector_load %arg15[%get3A_257] {strides = array<i32>} : memref<6256xf32, #tpu.memory_space<vmem>>, vector<16xf32>,
      %max3A = arith.maximumf %get3A_256, %get3A_258 : vector<16xf32>
      %swap3A = arith.index_cast %mul3A_255 : i32 to index
      %swap3A_259 = tpu.vector_load %arg14[%swap3A] {strides = array<i32>} : memref<6256xf32, #tpu.memory_space<vmem>>, vector<16xf32>,
      tpu.vector_store %arg14[%swap3A], %max3A {strides = array<i32>} : memref<6256xf32, #tpu.memory_space<vmem>>, vector<16xf32>,
      %scan3A_260 = arith.constant 0 : i32
      scf.yield %scan3A_260 : i32
    }
    %scan3A_138 = arith.constant 391 : i32
    %mul3A_139 = arith.constant 50048 : i32
    %mul3A_140 = arith.muli %add3A_77, %mul3A_139 : i32
    %add3A_141 = arith.addi %mul3A_140, %add3A_85 : i32
    "tpu.region"() ({
      %run_scoped3A = tpu.sem_alloc : memref<!tpu.dma_semaphore, #tpu.memory_space<semaphore_mem>>
      %dma_start3A = tpu.memref_slice %arg6[%add3A_141] : memref<3203072xf32, #tpu.memory_space<hbm>> -> memref<6256xf32, #tpu.memory_space<hbm>>
      %dma_start3A_252 = tpu.memref_slice %arg6[%add3A_141] : memref<3203072xf32, #tpu.memory_space<hbm>> -> memref<6256xf32, #tpu.memory_space<hbm>>
      tpu.enqueue_dma source(%dma_start3A_252 : memref<6256xf32, #tpu.memory_space<hbm>>) target(%arg15 : memref<6256xf32, #tpu.memory_space<vmem>>) target_semaphore(%run_scoped3A : memref<!tpu.dma_semaphore, #tpu.memory_space<semaphore_mem>>)
      %dma_wait3A = tpu.memref_slice %arg6[%add3A_141] : memref<3203072xf32, #tpu.memory_space<hbm>> -> memref<6256xf32, #tpu.memory_space<hbm>>
      %dma_wait3A_253 = tpu.memref_slice %arg6[%add3A_141] : memref<3203072xf32, #tpu.memory_space<hbm>> -> memref<6256xf32, #tpu.memory_space<hbm>>
      tpu.wait_dma2 semaphore(%run_scoped3A : memref<!tpu.dma_semaphore, #tpu.memory_space<semaphore_mem>>) src(%dma_wait3A_253 : memref<6256xf32, #tpu.memory_space<hbm>>) dst(%arg15 : memref<6256xf32, #tpu.memory_space<vmem>>)
      tpu.yield
    }) : () -> ()
    %scan3A_142 = arith.constant 0 : i32
    %scan3A_143 = arith.constant 0 : i32
    %scan3A_144 = arith.constant 391 : i32
    %scan3A_145 = arith.addi %scan3A_143, %scan3A_144 : i32
    %scan3A_146 = arith.constant 1 : i32
    %scan3A_147 = scf.for %scan3A_252 = %scan3A_143 to %scan3A_145 step %scan3A_146 iter_args(%scan3A_253 = %scan3A_142) -> (i32)  : i32 {
      %mul3A_254 = arith.constant 16 : i32
      %mul3A_255 = arith.muli %scan3A_252, %mul3A_254 : i32
      %get3A = arith.index_cast %mul3A_255 : i32 to index
      %get3A_256 = tpu.vector_load %arg14[%get3A] {strides = array<i32>} : memref<6256xf32, #tpu.memory_space<vmem>>, vector<16xf32>,
      %get3A_257 = arith.index_cast %mul3A_255 : i32 to index
      %get3A_258 = tpu.vector_load %arg15[%get3A_257] {strides = array<i32>} : memref<6256xf32, #tpu.memory_space<vmem>>, vector<16xf32>,
      %max3A = arith.maximumf %get3A_256, %get3A_258 : vector<16xf32>
      %swap3A = arith.index_cast %mul3A_255 : i32 to index
      %swap3A_259 = tpu.vector_load %arg14[%swap3A] {strides = array<i32>} : memref<6256xf32, #tpu.memory_space<vmem>>, vector<16xf32>,
      tpu.vector_store %arg14[%swap3A], %max3A {strides = array<i32>} : memref<6256xf32, #tpu.memory_space<vmem>>, vector<16xf32>,
      %scan3A_260 = arith.constant 0 : i32
      scf.yield %scan3A_260 : i32
    }
    %scan3A_148 = arith.constant 391 : i32
    %mul3A_149 = arith.constant 50048 : i32
    %mul3A_150 = arith.muli %add3A_81, %mul3A_149 : i32
    %add3A_151 = arith.addi %mul3A_150, %add3A_85 : i32
    "tpu.region"() ({
      %run_scoped3A = tpu.sem_alloc : memref<!tpu.dma_semaphore, #tpu.memory_space<semaphore_mem>>
      %dma_start3A = tpu.memref_slice %arg6[%add3A_151] : memref<3203072xf32, #tpu.memory_space<hbm>> -> memref<6256xf32, #tpu.memory_space<hbm>>
      %dma_start3A_252 = tpu.memref_slice %arg6[%add3A_151] : memref<3203072xf32, #tpu.memory_space<hbm>> -> memref<6256xf32, #tpu.memory_space<hbm>>
      tpu.enqueue_dma source(%dma_start3A_252 : memref<6256xf32, #tpu.memory_space<hbm>>) target(%arg15 : memref<6256xf32, #tpu.memory_space<vmem>>) target_semaphore(%run_scoped3A : memref<!tpu.dma_semaphore, #tpu.memory_space<semaphore_mem>>)
      %dma_wait3A = tpu.memref_slice %arg6[%add3A_151] : memref<3203072xf32, #tpu.memory_space<hbm>> -> memref<6256xf32, #tpu.memory_space<hbm>>
      %dma_wait3A_253 = tpu.memref_slice %arg6[%add3A_151] : memref<3203072xf32, #tpu.memory_space<hbm>> -> memref<6256xf32, #tpu.memory_space<hbm>>
      tpu.wait_dma2 semaphore(%run_scoped3A : memref<!tpu.dma_semaphore, #tpu.memory_space<semaphore_mem>>) src(%dma_wait3A_253 : memref<6256xf32, #tpu.memory_space<hbm>>) dst(%arg15 : memref<6256xf32, #tpu.memory_space<vmem>>)
      tpu.yield
    }) : () -> ()
    %scan3A_152 = arith.constant 0 : i32
    %scan3A_153 = arith.constant 0 : i32
    %scan3A_154 = arith.constant 391 : i32
    %scan3A_155 = arith.addi %scan3A_153, %scan3A_154 : i32
    %scan3A_156 = arith.constant 1 : i32
    %scan3A_157 = scf.for %scan3A_252 = %scan3A_153 to %scan3A_155 step %scan3A_156 iter_args(%scan3A_253 = %scan3A_152) -> (i32)  : i32 {
      %mul3A_254 = arith.constant 16 : i32
      %mul3A_255 = arith.muli %scan3A_252, %mul3A_254 : i32
      %get3A = arith.index_cast %mul3A_255 : i32 to index
      %get3A_256 = tpu.vector_load %arg14[%get3A] {strides = array<i32>} : memref<6256xf32, #tpu.memory_space<vmem>>, vector<16xf32>,
      %get3A_257 = arith.index_cast %mul3A_255 : i32 to index
      %get3A_258 = tpu.vector_load %arg15[%get3A_257] {strides = array<i32>} : memref<6256xf32, #tpu.memory_space<vmem>>, vector<16xf32>,
      %max3A = arith.maximumf %get3A_256, %get3A_258 : vector<16xf32>
      %swap3A = arith.index_cast %mul3A_255 : i32 to index
      %swap3A_259 = tpu.vector_load %arg14[%swap3A] {strides = array<i32>} : memref<6256xf32, #tpu.memory_space<vmem>>, vector<16xf32>,
      tpu.vector_store %arg14[%swap3A], %max3A {strides = array<i32>} : memref<6256xf32, #tpu.memory_space<vmem>>, vector<16xf32>,
      %scan3A_260 = arith.constant 0 : i32
      scf.yield %scan3A_260 : i32
    }
    %scan3A_158 = arith.constant 391 : i32
    %mul3A_159 = arith.constant 50048 : i32
    %mul3A_160 = arith.muli %add3A, %mul3A_159 : i32
    %add3A_161 = arith.addi %mul3A_160, %add3A_85 : i32
    "tpu.region"() ({
      %run_scoped3A = tpu.sem_alloc : memref<!tpu.dma_semaphore, #tpu.memory_space<semaphore_mem>>
      %dma_start3A = tpu.memref_slice %arg7[%add3A_161] : memref<400384xf32, #tpu.memory_space<hbm>> -> memref<6256xf32, #tpu.memory_space<hbm>>
      %dma_start3A_252 = tpu.memref_slice %arg7[%add3A_161] : memref<400384xf32, #tpu.memory_space<hbm>> -> memref<6256xf32, #tpu.memory_space<hbm>>
      tpu.enqueue_dma source(%arg14 : memref<6256xf32, #tpu.memory_space<vmem>>) target(%dma_start3A_252 : memref<6256xf32, #tpu.memory_space<hbm>>) target_semaphore(%run_scoped3A : memref<!tpu.dma_semaphore, #tpu.memory_space<semaphore_mem>>)
      %dma_wait3A = tpu.memref_slice %arg7[%add3A_161] : memref<400384xf32, #tpu.memory_space<hbm>> -> memref<6256xf32, #tpu.memory_space<hbm>>
      %dma_wait3A_253 = tpu.memref_slice %arg7[%add3A_161] : memref<400384xf32, #tpu.memory_space<hbm>> -> memref<6256xf32, #tpu.memory_space<hbm>>
      tpu.wait_dma2 semaphore(%run_scoped3A : memref<!tpu.dma_semaphore, #tpu.memory_space<semaphore_mem>>) src(%arg14 : memref<6256xf32, #tpu.memory_space<vmem>>) dst(%dma_wait3A_253 : memref<6256xf32, #tpu.memory_space<hbm>>)
      tpu.yield
    }) : () -> ()
    %mul3A_162 = arith.constant 12512 : i32
    %mul3A_163 = arith.muli %select_n3A_30, %mul3A_162 : i32
    %add3A_164 = arith.constant 6256 : i32
    %add3A_165 = arith.addi %mul3A_163, %add3A_164 : i32
    %mul3A_166 = arith.constant 50048 : i32
    %mul3A_167 = arith.muli %add3A_59, %mul3A_166 : i32
    %add3A_168 = arith.addi %mul3A_167, %add3A_165 : i32
    "tpu.region"() ({
      %run_scoped3A = tpu.sem_alloc : memref<!tpu.dma_semaphore, #tpu.memory_space<semaphore_mem>>
      %dma_start3A = tpu.memref_slice %arg6[%add3A_168] : memref<3203072xf32, #tpu.memory_space<hbm>> -> memref<6256xf32, #tpu.memory_space<hbm>>
      %dma_start3A_252 = tpu.memref_slice %arg6[%add3A_168] : memref<3203072xf32, #tpu.memory_space<hbm>> -> memref<6256xf32, #tpu.memory_space<hbm>>
      tpu.enqueue_dma source(%dma_start3A_252 : memref<6256xf32, #tpu.memory_space<hbm>>) target(%arg14 : memref<6256xf32, #tpu.memory_space<vmem>>) target_semaphore(%run_scoped3A : memref<!tpu.dma_semaphore, #tpu.memory_space<semaphore_mem>>)
      %dma_wait3A = tpu.memref_slice %arg6[%add3A_168] : memref<3203072xf32, #tpu.memory_space<hbm>> -> memref<6256xf32, #tpu.memory_space<hbm>>
      %dma_wait3A_253 = tpu.memref_slice %arg6[%add3A_168] : memref<3203072xf32, #tpu.memory_space<hbm>> -> memref<6256xf32, #tpu.memory_space<hbm>>
      tpu.wait_dma2 semaphore(%run_scoped3A : memref<!tpu.dma_semaphore, #tpu.memory_space<semaphore_mem>>) src(%dma_wait3A_253 : memref<6256xf32, #tpu.memory_space<hbm>>) dst(%arg14 : memref<6256xf32, #tpu.memory_space<vmem>>)
      tpu.yield
    }) : () -> ()
    %mul3A_169 = arith.constant 50048 : i32
    %mul3A_170 = arith.muli %add3A_61, %mul3A_169 : i32
    %add3A_171 = arith.addi %mul3A_170, %add3A_165 : i32
    "tpu.region"() ({
      %run_scoped3A = tpu.sem_alloc : memref<!tpu.dma_semaphore, #tpu.memory_space<semaphore_mem>>
      %dma_start3A = tpu.memref_slice %arg6[%add3A_171] : memref<3203072xf32, #tpu.memory_space<hbm>> -> memref<6256xf32, #tpu.memory_space<hbm>>
      %dma_start3A_252 = tpu.memref_slice %arg6[%add3A_171] : memref<3203072xf32, #tpu.memory_space<hbm>> -> memref<6256xf32, #tpu.memory_space<hbm>>
      tpu.enqueue_dma source(%dma_start3A_252 : memref<6256xf32, #tpu.memory_space<hbm>>) target(%arg15 : memref<6256xf32, #tpu.memory_space<vmem>>) target_semaphore(%run_scoped3A : memref<!tpu.dma_semaphore, #tpu.memory_space<semaphore_mem>>)
      %dma_wait3A = tpu.memref_slice %arg6[%add3A_171] : memref<3203072xf32, #tpu.memory_space<hbm>> -> memref<6256xf32, #tpu.memory_space<hbm>>
      %dma_wait3A_253 = tpu.memref_slice %arg6[%add3A_171] : memref<3203072xf32, #tpu.memory_space<hbm>> -> memref<6256xf32, #tpu.memory_space<hbm>>
      tpu.wait_dma2 semaphore(%run_scoped3A : memref<!tpu.dma_semaphore, #tpu.memory_space<semaphore_mem>>) src(%dma_wait3A_253 : memref<6256xf32, #tpu.memory_space<hbm>>) dst(%arg15 : memref<6256xf32, #tpu.memory_space<vmem>>)
      tpu.yield
    }) : () -> ()
    %scan3A_172 = arith.constant 0 : i32
    %scan3A_173 = arith.constant 0 : i32
    %scan3A_174 = arith.constant 391 : i32
    %scan3A_175 = arith.addi %scan3A_173, %scan3A_174 : i32
    %scan3A_176 = arith.constant 1 : i32
    %scan3A_177 = scf.for %scan3A_252 = %scan3A_173 to %scan3A_175 step %scan3A_176 iter_args(%scan3A_253 = %scan3A_172) -> (i32)  : i32 {
      %mul3A_254 = arith.constant 16 : i32
      %mul3A_255 = arith.muli %scan3A_252, %mul3A_254 : i32
      %get3A = arith.index_cast %mul3A_255 : i32 to index
      %get3A_256 = tpu.vector_load %arg14[%get3A] {strides = array<i32>} : memref<6256xf32, #tpu.memory_space<vmem>>, vector<16xf32>,
      %get3A_257 = arith.index_cast %mul3A_255 : i32 to index
      %get3A_258 = tpu.vector_load %arg15[%get3A_257] {strides = array<i32>} : memref<6256xf32, #tpu.memory_space<vmem>>, vector<16xf32>,
      %max3A = arith.maximumf %get3A_256, %get3A_258 : vector<16xf32>
      %swap3A = arith.index_cast %mul3A_255 : i32 to index
      %swap3A_259 = tpu.vector_load %arg14[%swap3A] {strides = array<i32>} : memref<6256xf32, #tpu.memory_space<vmem>>, vector<16xf32>,
      tpu.vector_store %arg14[%swap3A], %max3A {strides = array<i32>} : memref<6256xf32, #tpu.memory_space<vmem>>, vector<16xf32>,
      %scan3A_260 = arith.constant 0 : i32
      scf.yield %scan3A_260 : i32
    }
    %scan3A_178 = arith.constant 391 : i32
    %mul3A_179 = arith.constant 50048 : i32
    %mul3A_180 = arith.muli %add3A_63, %mul3A_179 : i32
    %add3A_181 = arith.addi %mul3A_180, %add3A_165 : i32
    "tpu.region"() ({
      %run_scoped3A = tpu.sem_alloc : memref<!tpu.dma_semaphore, #tpu.memory_space<semaphore_mem>>
      %dma_start3A = tpu.memref_slice %arg6[%add3A_181] : memref<3203072xf32, #tpu.memory_space<hbm>> -> memref<6256xf32, #tpu.memory_space<hbm>>
      %dma_start3A_252 = tpu.memref_slice %arg6[%add3A_181] : memref<3203072xf32, #tpu.memory_space<hbm>> -> memref<6256xf32, #tpu.memory_space<hbm>>
      tpu.enqueue_dma source(%dma_start3A_252 : memref<6256xf32, #tpu.memory_space<hbm>>) target(%arg15 : memref<6256xf32, #tpu.memory_space<vmem>>) target_semaphore(%run_scoped3A : memref<!tpu.dma_semaphore, #tpu.memory_space<semaphore_mem>>)
      %dma_wait3A = tpu.memref_slice %arg6[%add3A_181] : memref<3203072xf32, #tpu.memory_space<hbm>> -> memref<6256xf32, #tpu.memory_space<hbm>>
      %dma_wait3A_253 = tpu.memref_slice %arg6[%add3A_181] : memref<3203072xf32, #tpu.memory_space<hbm>> -> memref<6256xf32, #tpu.memory_space<hbm>>
      tpu.wait_dma2 semaphore(%run_scoped3A : memref<!tpu.dma_semaphore, #tpu.memory_space<semaphore_mem>>) src(%dma_wait3A_253 : memref<6256xf32, #tpu.memory_space<hbm>>) dst(%arg15 : memref<6256xf32, #tpu.memory_space<vmem>>)
      tpu.yield
    }) : () -> ()
    %scan3A_182 = arith.constant 0 : i32
    %scan3A_183 = arith.constant 0 : i32
    %scan3A_184 = arith.constant 391 : i32
    %scan3A_185 = arith.addi %scan3A_183, %scan3A_184 : i32
    %scan3A_186 = arith.constant 1 : i32
    %scan3A_187 = scf.for %scan3A_252 = %scan3A_183 to %scan3A_185 step %scan3A_186 iter_args(%scan3A_253 = %scan3A_182) -> (i32)  : i32 {
      %mul3A_254 = arith.constant 16 : i32
      %mul3A_255 = arith.muli %scan3A_252, %mul3A_254 : i32
      %get3A = arith.index_cast %mul3A_255 : i32 to index
      %get3A_256 = tpu.vector_load %arg14[%get3A] {strides = array<i32>} : memref<6256xf32, #tpu.memory_space<vmem>>, vector<16xf32>,
      %get3A_257 = arith.index_cast %mul3A_255 : i32 to index
      %get3A_258 = tpu.vector_load %arg15[%get3A_257] {strides = array<i32>} : memref<6256xf32, #tpu.memory_space<vmem>>, vector<16xf32>,
      %max3A = arith.maximumf %get3A_256, %get3A_258 : vector<16xf32>
      %swap3A = arith.index_cast %mul3A_255 : i32 to index
      %swap3A_259 = tpu.vector_load %arg14[%swap3A] {strides = array<i32>} : memref<6256xf32, #tpu.memory_space<vmem>>, vector<16xf32>,
      tpu.vector_store %arg14[%swap3A], %max3A {strides = array<i32>} : memref<6256xf32, #tpu.memory_space<vmem>>, vector<16xf32>,
      %scan3A_260 = arith.constant 0 : i32
      scf.yield %scan3A_260 : i32
    }
    %scan3A_188 = arith.constant 391 : i32
    %mul3A_189 = arith.constant 50048 : i32
    %mul3A_190 = arith.muli %add3A_65, %mul3A_189 : i32
    %add3A_191 = arith.addi %mul3A_190, %add3A_165 : i32
    "tpu.region"() ({
      %run_scoped3A = tpu.sem_alloc : memref<!tpu.dma_semaphore, #tpu.memory_space<semaphore_mem>>
      %dma_start3A = tpu.memref_slice %arg6[%add3A_191] : memref<3203072xf32, #tpu.memory_space<hbm>> -> memref<6256xf32, #tpu.memory_space<hbm>>
      %dma_start3A_252 = tpu.memref_slice %arg6[%add3A_191] : memref<3203072xf32, #tpu.memory_space<hbm>> -> memref<6256xf32, #tpu.memory_space<hbm>>
      tpu.enqueue_dma source(%dma_start3A_252 : memref<6256xf32, #tpu.memory_space<hbm>>) target(%arg15 : memref<6256xf32, #tpu.memory_space<vmem>>) target_semaphore(%run_scoped3A : memref<!tpu.dma_semaphore, #tpu.memory_space<semaphore_mem>>)
      %dma_wait3A = tpu.memref_slice %arg6[%add3A_191] : memref<3203072xf32, #tpu.memory_space<hbm>> -> memref<6256xf32, #tpu.memory_space<hbm>>
      %dma_wait3A_253 = tpu.memref_slice %arg6[%add3A_191] : memref<3203072xf32, #tpu.memory_space<hbm>> -> memref<6256xf32, #tpu.memory_space<hbm>>
      tpu.wait_dma2 semaphore(%run_scoped3A : memref<!tpu.dma_semaphore, #tpu.memory_space<semaphore_mem>>) src(%dma_wait3A_253 : memref<6256xf32, #tpu.memory_space<hbm>>) dst(%arg15 : memref<6256xf32, #tpu.memory_space<vmem>>)
      tpu.yield
    }) : () -> ()
    %scan3A_192 = arith.constant 0 : i32
    %scan3A_193 = arith.constant 0 : i32
    %scan3A_194 = arith.constant 391 : i32
    %scan3A_195 = arith.addi %scan3A_193, %scan3A_194 : i32
    %scan3A_196 = arith.constant 1 : i32
    %scan3A_197 = scf.for %scan3A_252 = %scan3A_193 to %scan3A_195 step %scan3A_196 iter_args(%scan3A_253 = %scan3A_192) -> (i32)  : i32 {
      %mul3A_254 = arith.constant 16 : i32
      %mul3A_255 = arith.muli %scan3A_252, %mul3A_254 : i32
      %get3A = arith.index_cast %mul3A_255 : i32 to index
      %get3A_256 = tpu.vector_load %arg14[%get3A] {strides = array<i32>} : memref<6256xf32, #tpu.memory_space<vmem>>, vector<16xf32>,
      %get3A_257 = arith.index_cast %mul3A_255 : i32 to index
      %get3A_258 = tpu.vector_load %arg15[%get3A_257] {strides = array<i32>} : memref<6256xf32, #tpu.memory_space<vmem>>, vector<16xf32>,
      %max3A = arith.maximumf %get3A_256, %get3A_258 : vector<16xf32>
      %swap3A = arith.index_cast %mul3A_255 : i32 to index
      %swap3A_259 = tpu.vector_load %arg14[%swap3A] {strides = array<i32>} : memref<6256xf32, #tpu.memory_space<vmem>>, vector<16xf32>,
      tpu.vector_store %arg14[%swap3A], %max3A {strides = array<i32>} : memref<6256xf32, #tpu.memory_space<vmem>>, vector<16xf32>,
      %scan3A_260 = arith.constant 0 : i32
      scf.yield %scan3A_260 : i32
    }
    %scan3A_198 = arith.constant 391 : i32
    %mul3A_199 = arith.constant 50048 : i32
    %mul3A_200 = arith.muli %add3A_69, %mul3A_199 : i32
    %add3A_201 = arith.addi %mul3A_200, %add3A_165 : i32
    "tpu.region"() ({
      %run_scoped3A = tpu.sem_alloc : memref<!tpu.dma_semaphore, #tpu.memory_space<semaphore_mem>>
      %dma_start3A = tpu.memref_slice %arg6[%add3A_201] : memref<3203072xf32, #tpu.memory_space<hbm>> -> memref<6256xf32, #tpu.memory_space<hbm>>
      %dma_start3A_252 = tpu.memref_slice %arg6[%add3A_201] : memref<3203072xf32, #tpu.memory_space<hbm>> -> memref<6256xf32, #tpu.memory_space<hbm>>
      tpu.enqueue_dma source(%dma_start3A_252 : memref<6256xf32, #tpu.memory_space<hbm>>) target(%arg15 : memref<6256xf32, #tpu.memory_space<vmem>>) target_semaphore(%run_scoped3A : memref<!tpu.dma_semaphore, #tpu.memory_space<semaphore_mem>>)
      %dma_wait3A = tpu.memref_slice %arg6[%add3A_201] : memref<3203072xf32, #tpu.memory_space<hbm>> -> memref<6256xf32, #tpu.memory_space<hbm>>
      %dma_wait3A_253 = tpu.memref_slice %arg6[%add3A_201] : memref<3203072xf32, #tpu.memory_space<hbm>> -> memref<6256xf32, #tpu.memory_space<hbm>>
      tpu.wait_dma2 semaphore(%run_scoped3A : memref<!tpu.dma_semaphore, #tpu.memory_space<semaphore_mem>>) src(%dma_wait3A_253 : memref<6256xf32, #tpu.memory_space<hbm>>) dst(%arg15 : memref<6256xf32, #tpu.memory_space<vmem>>)
      tpu.yield
    }) : () -> ()
    %scan3A_202 = arith.constant 0 : i32
    %scan3A_203 = arith.constant 0 : i32
    %scan3A_204 = arith.constant 391 : i32
    %scan3A_205 = arith.addi %scan3A_203, %scan3A_204 : i32
    %scan3A_206 = arith.constant 1 : i32
    %scan3A_207 = scf.for %scan3A_252 = %scan3A_203 to %scan3A_205 step %scan3A_206 iter_args(%scan3A_253 = %scan3A_202) -> (i32)  : i32 {
      %mul3A_254 = arith.constant 16 : i32
      %mul3A_255 = arith.muli %scan3A_252, %mul3A_254 : i32
      %get3A = arith.index_cast %mul3A_255 : i32 to index
      %get3A_256 = tpu.vector_load %arg14[%get3A] {strides = array<i32>} : memref<6256xf32, #tpu.memory_space<vmem>>, vector<16xf32>,
      %get3A_257 = arith.index_cast %mul3A_255 : i32 to index
      %get3A_258 = tpu.vector_load %arg15[%get3A_257] {strides = array<i32>} : memref<6256xf32, #tpu.memory_space<vmem>>, vector<16xf32>,
      %max3A = arith.maximumf %get3A_256, %get3A_258 : vector<16xf32>
      %swap3A = arith.index_cast %mul3A_255 : i32 to index
      %swap3A_259 = tpu.vector_load %arg14[%swap3A] {strides = array<i32>} : memref<6256xf32, #tpu.memory_space<vmem>>, vector<16xf32>,
      tpu.vector_store %arg14[%swap3A], %max3A {strides = array<i32>} : memref<6256xf32, #tpu.memory_space<vmem>>, vector<16xf32>,
      %scan3A_260 = arith.constant 0 : i32
      scf.yield %scan3A_260 : i32
    }
    %scan3A_208 = arith.constant 391 : i32
    %mul3A_209 = arith.constant 50048 : i32
    %mul3A_210 = arith.muli %add3A_73, %mul3A_209 : i32
    %add3A_211 = arith.addi %mul3A_210, %add3A_165 : i32
    "tpu.region"() ({
      %run_scoped3A = tpu.sem_alloc : memref<!tpu.dma_semaphore, #tpu.memory_space<semaphore_mem>>
      %dma_start3A = tpu.memref_slice %arg6[%add3A_211] : memref<3203072xf32, #tpu.memory_space<hbm>> -> memref<6256xf32, #tpu.memory_space<hbm>>
      %dma_start3A_252 = tpu.memref_slice %arg6[%add3A_211] : memref<3203072xf32, #tpu.memory_space<hbm>> -> memref<6256xf32, #tpu.memory_space<hbm>>
      tpu.enqueue_dma source(%dma_start3A_252 : memref<6256xf32, #tpu.memory_space<hbm>>) target(%arg15 : memref<6256xf32, #tpu.memory_space<vmem>>) target_semaphore(%run_scoped3A : memref<!tpu.dma_semaphore, #tpu.memory_space<semaphore_mem>>)
      %dma_wait3A = tpu.memref_slice %arg6[%add3A_211] : memref<3203072xf32, #tpu.memory_space<hbm>> -> memref<6256xf32, #tpu.memory_space<hbm>>
      %dma_wait3A_253 = tpu.memref_slice %arg6[%add3A_211] : memref<3203072xf32, #tpu.memory_space<hbm>> -> memref<6256xf32, #tpu.memory_space<hbm>>
      tpu.wait_dma2 semaphore(%run_scoped3A : memref<!tpu.dma_semaphore, #tpu.memory_space<semaphore_mem>>) src(%dma_wait3A_253 : memref<6256xf32, #tpu.memory_space<hbm>>) dst(%arg15 : memref<6256xf32, #tpu.memory_space<vmem>>)
      tpu.yield
    }) : () -> ()
    %scan3A_212 = arith.constant 0 : i32
    %scan3A_213 = arith.constant 0 : i32
    %scan3A_214 = arith.constant 391 : i32
    %scan3A_215 = arith.addi %scan3A_213, %scan3A_214 : i32
    %scan3A_216 = arith.constant 1 : i32
    %scan3A_217 = scf.for %scan3A_252 = %scan3A_213 to %scan3A_215 step %scan3A_216 iter_args(%scan3A_253 = %scan3A_212) -> (i32)  : i32 {
      %mul3A_254 = arith.constant 16 : i32
      %mul3A_255 = arith.muli %scan3A_252, %mul3A_254 : i32
      %get3A = arith.index_cast %mul3A_255 : i32 to index
      %get3A_256 = tpu.vector_load %arg14[%get3A] {strides = array<i32>} : memref<6256xf32, #tpu.memory_space<vmem>>, vector<16xf32>,
      %get3A_257 = arith.index_cast %mul3A_255 : i32 to index
      %get3A_258 = tpu.vector_load %arg15[%get3A_257] {strides = array<i32>} : memref<6256xf32, #tpu.memory_space<vmem>>, vector<16xf32>,
      %max3A = arith.maximumf %get3A_256, %get3A_258 : vector<16xf32>
      %swap3A = arith.index_cast %mul3A_255 : i32 to index
      %swap3A_259 = tpu.vector_load %arg14[%swap3A] {strides = array<i32>} : memref<6256xf32, #tpu.memory_space<vmem>>, vector<16xf32>,
      tpu.vector_store %arg14[%swap3A], %max3A {strides = array<i32>} : memref<6256xf32, #tpu.memory_space<vmem>>, vector<16xf32>,
      %scan3A_260 = arith.constant 0 : i32
      scf.yield %scan3A_260 : i32
    }
    %scan3A_218 = arith.constant 391 : i32
    %mul3A_219 = arith.constant 50048 : i32
    %mul3A_220 = arith.muli %add3A_77, %mul3A_219 : i32
    %add3A_221 = arith.addi %mul3A_220, %add3A_165 : i32
    "tpu.region"() ({
      %run_scoped3A = tpu.sem_alloc : memref<!tpu.dma_semaphore, #tpu.memory_space<semaphore_mem>>
      %dma_start3A = tpu.memref_slice %arg6[%add3A_221] : memref<3203072xf32, #tpu.memory_space<hbm>> -> memref<6256xf32, #tpu.memory_space<hbm>>
      %dma_start3A_252 = tpu.memref_slice %arg6[%add3A_221] : memref<3203072xf32, #tpu.memory_space<hbm>> -> memref<6256xf32, #tpu.memory_space<hbm>>
      tpu.enqueue_dma source(%dma_start3A_252 : memref<6256xf32, #tpu.memory_space<hbm>>) target(%arg15 : memref<6256xf32, #tpu.memory_space<vmem>>) target_semaphore(%run_scoped3A : memref<!tpu.dma_semaphore, #tpu.memory_space<semaphore_mem>>)
      %dma_wait3A = tpu.memref_slice %arg6[%add3A_221] : memref<3203072xf32, #tpu.memory_space<hbm>> -> memref<6256xf32, #tpu.memory_space<hbm>>
      %dma_wait3A_253 = tpu.memref_slice %arg6[%add3A_221] : memref<3203072xf32, #tpu.memory_space<hbm>> -> memref<6256xf32, #tpu.memory_space<hbm>>
      tpu.wait_dma2 semaphore(%run_scoped3A : memref<!tpu.dma_semaphore, #tpu.memory_space<semaphore_mem>>) src(%dma_wait3A_253 : memref<6256xf32, #tpu.memory_space<hbm>>) dst(%arg15 : memref<6256xf32, #tpu.memory_space<vmem>>)
      tpu.yield
    }) : () -> ()
    %scan3A_222 = arith.constant 0 : i32
    %scan3A_223 = arith.constant 0 : i32
    %scan3A_224 = arith.constant 391 : i32
    %scan3A_225 = arith.addi %scan3A_223, %scan3A_224 : i32
    %scan3A_226 = arith.constant 1 : i32
    %scan3A_227 = scf.for %scan3A_252 = %scan3A_223 to %scan3A_225 step %scan3A_226 iter_args(%scan3A_253 = %scan3A_222) -> (i32)  : i32 {
      %mul3A_254 = arith.constant 16 : i32
      %mul3A_255 = arith.muli %scan3A_252, %mul3A_254 : i32
      %get3A = arith.index_cast %mul3A_255 : i32 to index
      %get3A_256 = tpu.vector_load %arg14[%get3A] {strides = array<i32>} : memref<6256xf32, #tpu.memory_space<vmem>>, vector<16xf32>,
      %get3A_257 = arith.index_cast %mul3A_255 : i32 to index
      %get3A_258 = tpu.vector_load %arg15[%get3A_257] {strides = array<i32>} : memref<6256xf32, #tpu.memory_space<vmem>>, vector<16xf32>,
      %max3A = arith.maximumf %get3A_256, %get3A_258 : vector<16xf32>
      %swap3A = arith.index_cast %mul3A_255 : i32 to index
      %swap3A_259 = tpu.vector_load %arg14[%swap3A] {strides = array<i32>} : memref<6256xf32, #tpu.memory_space<vmem>>, vector<16xf32>,
      tpu.vector_store %arg14[%swap3A], %max3A {strides = array<i32>} : memref<6256xf32, #tpu.memory_space<vmem>>, vector<16xf32>,
      %scan3A_260 = arith.constant 0 : i32
      scf.yield %scan3A_260 : i32
    }
    %scan3A_228 = arith.constant 391 : i32
    %mul3A_229 = arith.constant 50048 : i32
    %mul3A_230 = arith.muli %add3A_81, %mul3A_229 : i32
    %add3A_231 = arith.addi %mul3A_230, %add3A_165 : i32
    "tpu.region"() ({
      %run_scoped3A = tpu.sem_alloc : memref<!tpu.dma_semaphore, #tpu.memory_space<semaphore_mem>>
      %dma_start3A = tpu.memref_slice %arg6[%add3A_231] : memref<3203072xf32, #tpu.memory_space<hbm>> -> memref<6256xf32, #tpu.memory_space<hbm>>
      %dma_start3A_252 = tpu.memref_slice %arg6[%add3A_231] : memref<3203072xf32, #tpu.memory_space<hbm>> -> memref<6256xf32, #tpu.memory_space<hbm>>
      tpu.enqueue_dma source(%dma_start3A_252 : memref<6256xf32, #tpu.memory_space<hbm>>) target(%arg15 : memref<6256xf32, #tpu.memory_space<vmem>>) target_semaphore(%run_scoped3A : memref<!tpu.dma_semaphore, #tpu.memory_space<semaphore_mem>>)
      %dma_wait3A = tpu.memref_slice %arg6[%add3A_231] : memref<3203072xf32, #tpu.memory_space<hbm>> -> memref<6256xf32, #tpu.memory_space<hbm>>
      %dma_wait3A_253 = tpu.memref_slice %arg6[%add3A_231] : memref<3203072xf32, #tpu.memory_space<hbm>> -> memref<6256xf32, #tpu.memory_space<hbm>>
      tpu.wait_dma2 semaphore(%run_scoped3A : memref<!tpu.dma_semaphore, #tpu.memory_space<semaphore_mem>>) src(%dma_wait3A_253 : memref<6256xf32, #tpu.memory_space<hbm>>) dst(%arg15 : memref<6256xf32, #tpu.memory_space<vmem>>)
      tpu.yield
    }) : () -> ()
    %scan3A_232 = arith.constant 0 : i32
    %scan3A_233 = arith.constant 0 : i32
    %scan3A_234 = arith.constant 391 : i32
    %scan3A_235 = arith.addi %scan3A_233, %scan3A_234 : i32
    %scan3A_236 = arith.constant 1 : i32
    %scan3A_237 = scf.for %scan3A_252 = %scan3A_233 to %scan3A_235 step %scan3A_236 iter_args(%scan3A_253 = %scan3A_232) -> (i32)  : i32 {
      %mul3A_254 = arith.constant 16 : i32
      %mul3A_255 = arith.muli %scan3A_252, %mul3A_254 : i32
      %get3A = arith.index_cast %mul3A_255 : i32 to index
      %get3A_256 = tpu.vector_load %arg14[%get3A] {strides = array<i32>} : memref<6256xf32, #tpu.memory_space<vmem>>, vector<16xf32>,
      %get3A_257 = arith.index_cast %mul3A_255 : i32 to index
      %get3A_258 = tpu.vector_load %arg15[%get3A_257] {strides = array<i32>} : memref<6256xf32, #tpu.memory_space<vmem>>, vector<16xf32>,
      %max3A = arith.maximumf %get3A_256, %get3A_258 : vector<16xf32>
      %swap3A = arith.index_cast %mul3A_255 : i32 to index
      %swap3A_259 = tpu.vector_load %arg14[%swap3A] {strides = array<i32>} : memref<6256xf32, #tpu.memory_space<vmem>>, vector<16xf32>,
      tpu.vector_store %arg14[%swap3A], %max3A {strides = array<i32>} : memref<6256xf32, #tpu.memory_space<vmem>>, vector<16xf32>,
      %scan3A_260 = arith.constant 0 : i32
      scf.yield %scan3A_260 : i32
    }
    %scan3A_238 = arith.constant 391 : i32
    %mul3A_239 = arith.constant 50048 : i32
    %mul3A_240 = arith.muli %add3A, %mul3A_239 : i32
    %add3A_241 = arith.addi %mul3A_240, %add3A_165 : i32
    "tpu.region"() ({
      %run_scoped3A = tpu.sem_alloc : memref<!tpu.dma_semaphore, #tpu.memory_space<semaphore_mem>>
      %dma_start3A = tpu.memref_slice %arg7[%add3A_241] : memref<400384xf32, #tpu.memory_space<hbm>> -> memref<6256xf32, #tpu.memory_space<hbm>>
      %dma_start3A_252 = tpu.memref_slice %arg7[%add3A_241] : memref<400384xf32, #tpu.memory_space<hbm>> -> memref<6256xf32, #tpu.memory_space<hbm>>
      tpu.enqueue_dma source(%arg14 : memref<6256xf32, #tpu.memory_space<vmem>>) target(%dma_start3A_252 : memref<6256xf32, #tpu.memory_space<hbm>>) target_semaphore(%run_scoped3A : memref<!tpu.dma_semaphore, #tpu.memory_space<semaphore_mem>>)
      %dma_wait3A = tpu.memref_slice %arg7[%add3A_241] : memref<400384xf32, #tpu.memory_space<hbm>> -> memref<6256xf32, #tpu.memory_space<hbm>>
      %dma_wait3A_253 = tpu.memref_slice %arg7[%add3A_241] : memref<400384xf32, #tpu.memory_space<hbm>> -> memref<6256xf32, #tpu.memory_space<hbm>>
      tpu.wait_dma2 semaphore(%run_scoped3A : memref<!tpu.dma_semaphore, #tpu.memory_space<semaphore_mem>>) src(%arg14 : memref<6256xf32, #tpu.memory_space<vmem>>) dst(%dma_wait3A_253 : memref<6256xf32, #tpu.memory_space<hbm>>)
      tpu.yield
    }) : () -> ()
    %barrier3A_242 = arith.constant 0 : index
    tpu.barrier barrier_id(%barrier3A_242)
    %mul3A_243 = arith.constant 50048 : i32
    %mul3A_244 = arith.muli %add3A, %mul3A_243 : i32
    "tpu.region"() ({
      %run_scoped3A = tpu.sem_alloc : memref<!tpu.dma_semaphore, #tpu.memory_space<semaphore_mem>>
      %dma_start3A = tpu.memref_slice %arg7[%mul3A_244] : memref<400384xf32, #tpu.memory_space<hbm>> -> memref<50048xf32, #tpu.memory_space<hbm>>
      %dma_start3A_252 = tpu.memref_slice %arg7[%mul3A_244] : memref<400384xf32, #tpu.memory_space<hbm>> -> memref<50048xf32, #tpu.memory_space<hbm>>
      tpu.enqueue_dma source(%dma_start3A_252 : memref<50048xf32, #tpu.memory_space<hbm>>) target(%arg8 : memref<50048xf32, #tpu.memory_space<vmem>>) target_semaphore(%run_scoped3A : memref<!tpu.dma_semaphore, #tpu.memory_space<semaphore_mem>>)
      %dma_wait3A = tpu.memref_slice %arg7[%mul3A_244] : memref<400384xf32, #tpu.memory_space<hbm>> -> memref<50048xf32, #tpu.memory_space<hbm>>
      %dma_wait3A_253 = tpu.memref_slice %arg7[%mul3A_244] : memref<400384xf32, #tpu.memory_space<hbm>> -> memref<50048xf32, #tpu.memory_space<hbm>>
      tpu.wait_dma2 semaphore(%run_scoped3A : memref<!tpu.dma_semaphore, #tpu.memory_space<semaphore_mem>>) src(%dma_wait3A_253 : memref<50048xf32, #tpu.memory_space<hbm>>) dst(%arg8 : memref<50048xf32, #tpu.memory_space<vmem>>)
      tpu.yield
    }) : () -> ()
    %scan3A_245 = arith.constant 0 : i32
    %scan3A_246 = arith.constant 0 : i32
    %scan3A_247 = arith.constant 125 : i32
    %scan3A_248 = arith.addi %scan3A_246, %scan3A_247 : i32
    %scan3A_249 = arith.constant 1 : i32
    %scan3A_250 = scf.for %scan3A_252 = %scan3A_246 to %scan3A_248 step %scan3A_249 iter_args(%scan3A_253 = %scan3A_245) -> (i32)  : i32 {
      %mul3A_254 = arith.constant 400000 : i32
      %mul3A_255 = arith.muli %select_n3A_30, %mul3A_254 : i32
      %mul3A_256 = arith.constant 3200 : i32
      %mul3A_257 = arith.muli %scan3A_252, %mul3A_256 : i32
      %add3A_258 = arith.addi %mul3A_255, %mul3A_257 : i32
      %multiple_of3A = tpu.assume_multiple %add3A_258, 128 : i32
      %mul3A_259 = arith.constant 3125 : i32
      %mul3A_260 = arith.muli %select_n3A_30, %mul3A_259 : i32
      %mul3A_261 = arith.constant 25 : i32
      %mul3A_262 = arith.muli %scan3A_252, %mul3A_261 : i32
      %add3A_263 = arith.addi %mul3A_260, %mul3A_262 : i32
      "tpu.region"() ({
        %run_scoped3A = tpu.sem_alloc : memref<!tpu.dma_semaphore, #tpu.memory_space<semaphore_mem>>
        %dma_start3A = tpu.memref_slice %arg2[%multiple_of3A] : memref<1600000xi32, #tpu.memory_space<hbm>> -> memref<3200xi32, #tpu.memory_space<hbm>>
        %dma_start3A_273 = tpu.memref_slice %arg2[%multiple_of3A] : memref<1600000xi32, #tpu.memory_space<hbm>> -> memref<3200xi32, #tpu.memory_space<hbm>>
        tpu.enqueue_dma source(%dma_start3A_273 : memref<3200xi32, #tpu.memory_space<hbm>>) target(%arg10 : memref<3200xi32, #tpu.memory_space<vmem>>) target_semaphore(%run_scoped3A : memref<!tpu.dma_semaphore, #tpu.memory_space<semaphore_mem>>)
        %dma_wait3A = tpu.memref_slice %arg2[%multiple_of3A] : memref<1600000xi32, #tpu.memory_space<hbm>> -> memref<3200xi32, #tpu.memory_space<hbm>>
        %dma_wait3A_274 = tpu.memref_slice %arg2[%multiple_of3A] : memref<1600000xi32, #tpu.memory_space<hbm>> -> memref<3200xi32, #tpu.memory_space<hbm>>
        tpu.wait_dma2 semaphore(%run_scoped3A : memref<!tpu.dma_semaphore, #tpu.memory_space<semaphore_mem>>) src(%dma_wait3A_274 : memref<3200xi32, #tpu.memory_space<hbm>>) dst(%arg10 : memref<3200xi32, #tpu.memory_space<vmem>>)
        tpu.yield
      }) : () -> ()
      %mul3A_264 = arith.constant 1600000 : i32
      %mul3A_265 = arith.muli %add3A, %mul3A_264 : i32
      %add3A_266 = arith.addi %mul3A_265, %multiple_of3A : i32
      "tpu.region"() ({
        %run_scoped3A = tpu.sem_alloc : memref<!tpu.dma_semaphore, #tpu.memory_space<semaphore_mem>>
        %dma_start3A = tpu.memref_slice %arg3[%add3A_266] : memref<12800000xf32, #tpu.memory_space<hbm>> -> memref<3200xf32, #tpu.memory_space<hbm>>
        %dma_start3A_273 = tpu.memref_slice %arg3[%add3A_266] : memref<12800000xf32, #tpu.memory_space<hbm>> -> memref<3200xf32, #tpu.memory_space<hbm>>
        tpu.enqueue_dma source(%dma_start3A_273 : memref<3200xf32, #tpu.memory_space<hbm>>) target(%arg11 : memref<3200xf32, #tpu.memory_space<vmem>>) target_semaphore(%run_scoped3A : memref<!tpu.dma_semaphore, #tpu.memory_space<semaphore_mem>>)
        %dma_wait3A = tpu.memref_slice %arg3[%add3A_266] : memref<12800000xf32, #tpu.memory_space<hbm>> -> memref<3200xf32, #tpu.memory_space<hbm>>
        %dma_wait3A_274 = tpu.memref_slice %arg3[%add3A_266] : memref<12800000xf32, #tpu.memory_space<hbm>> -> memref<3200xf32, #tpu.memory_space<hbm>>
        tpu.wait_dma2 semaphore(%run_scoped3A : memref<!tpu.dma_semaphore, #tpu.memory_space<semaphore_mem>>) src(%dma_wait3A_274 : memref<3200xf32, #tpu.memory_space<hbm>>) dst(%arg11 : memref<3200xf32, #tpu.memory_space<vmem>>)
        tpu.yield
      }) : () -> ()
      "tpu.region"() ({
        %run_scoped3A = tpu.sem_alloc : memref<!tpu.dma_semaphore, #tpu.memory_space<semaphore_mem>>
        %dma_start3A = arith.constant 0 : i32
        %dma_start3A_273 = tpu.memref_slice %arg4[%add3A_263, %add3A, %dma_start3A] : memref<12500x8x128xf32, #tpu.memory_space<hbm>> -> memref<25x1x128xf32, #tpu.memory_space<hbm>>
        %dma_start3A_274 = tpu.memref_squeeze %dma_start3A_273 : memref<25x1x128xf32, #tpu.memory_space<hbm>> -> memref<25x128xf32, #tpu.memory_space<hbm>>
        %dma_start3A_275 = arith.constant 0 : i32
        %dma_start3A_276 = tpu.memref_slice %arg4[%add3A_263, %add3A, %dma_start3A_275] : memref<12500x8x128xf32, #tpu.memory_space<hbm>> -> memref<25x1x128xf32, #tpu.memory_space<hbm>>
        %dma_start3A_277 = tpu.memref_squeeze %dma_start3A_276 : memref<25x1x128xf32, #tpu.memory_space<hbm>> -> memref<25x128xf32, #tpu.memory_space<hbm>>
        tpu.enqueue_dma source(%dma_start3A_277 : memref<25x128xf32, #tpu.memory_space<hbm>>) target(%arg12 : memref<25x128xf32, #tpu.memory_space<vmem>>) target_semaphore(%run_scoped3A : memref<!tpu.dma_semaphore, #tpu.memory_space<semaphore_mem>>)
        %dma_wait3A = arith.constant 0 : i32
        %dma_wait3A_278 = tpu.memref_slice %arg4[%add3A_263, %add3A, %dma_wait3A] : memref<12500x8x128xf32, #tpu.memory_space<hbm>> -> memref<25x1x128xf32, #tpu.memory_space<hbm>>
        %dma_wait3A_279 = tpu.memref_squeeze %dma_wait3A_278 : memref<25x1x128xf32, #tpu.memory_space<hbm>> -> memref<25x128xf32, #tpu.memory_space<hbm>>
        %dma_wait3A_280 = arith.constant 0 : i32
        %dma_wait3A_281 = tpu.memref_slice %arg4[%add3A_263, %add3A, %dma_wait3A_280] : memref<12500x8x128xf32, #tpu.memory_space<hbm>> -> memref<25x1x128xf32, #tpu.memory_space<hbm>>
        %dma_wait3A_282 = tpu.memref_squeeze %dma_wait3A_281 : memref<25x1x128xf32, #tpu.memory_space<hbm>> -> memref<25x128xf32, #tpu.memory_space<hbm>>
        tpu.wait_dma2 semaphore(%run_scoped3A : memref<!tpu.dma_semaphore, #tpu.memory_space<semaphore_mem>>) src(%dma_wait3A_282 : memref<25x128xf32, #tpu.memory_space<hbm>>) dst(%arg12 : memref<25x128xf32, #tpu.memory_space<vmem>>)
        tpu.yield
      }) : () -> ()
      %parallel_loop3A = arith.constant 0 : i32
      %parallel_loop3A_267 = arith.constant 200 : i32
      %parallel_loop3A_268 = arith.constant 1 : i32
      scf.for %parallel_loop3A_273 = %parallel_loop3A to %parallel_loop3A_267 step %parallel_loop3A_268  : i32 {
        %parallel_loop3A_274 = arith.constant 16 : i32
        %parallel_loop3A_275 = arith.muli %parallel_loop3A_273, %parallel_loop3A_274 : i32
        %parallel_loop3A_276 = arith.index_cast %parallel_loop3A_275 : i32 to index
        %parallel_loop3A_277 = tpu.vector_load %arg10[%parallel_loop3A_276] {strides = array<i32>} : memref<3200xi32, #tpu.memory_space<vmem>>, vector<16xi32>,
        %parallel_loop3A_278 = tpu.vector_load_idx %arg8[%parallel_loop3A_277] : memref<50048xf32, #tpu.memory_space<vmem>>[vector<16xi32>], vector<16xf32>,
        %parallel_loop3A_279 = arith.constant 8 : i32
        %parallel_loop3A_280 = arith.divsi %parallel_loop3A_273, %parallel_loop3A_279 : i32
        %parallel_loop3A_281 = arith.constant 0 : i32
        %parallel_loop3A_282 = arith.cmpi sgt, %parallel_loop3A_273, %parallel_loop3A_281 : i32
        %parallel_loop3A_283 = arith.extui %parallel_loop3A_282 : i1 to i32
        %parallel_loop3A_284 = arith.constant 0 : i32
        %parallel_loop3A_285 = arith.cmpi slt, %parallel_loop3A_273, %parallel_loop3A_284 : i32
        %parallel_loop3A_286 = arith.extui %parallel_loop3A_285 : i1 to i32
        %parallel_loop3A_287 = arith.subi %parallel_loop3A_283, %parallel_loop3A_286 : i32
        %parallel_loop3A_288 = arith.constant 0 : i32
        %parallel_loop3A_289 = arith.cmpi sgt, %parallel_loop3A_279, %parallel_loop3A_288 : i32
        %parallel_loop3A_290 = arith.extui %parallel_loop3A_289 : i1 to i32
        %parallel_loop3A_291 = arith.constant 0 : i32
        %parallel_loop3A_292 = arith.cmpi slt, %parallel_loop3A_279, %parallel_loop3A_291 : i32
        %parallel_loop3A_293 = arith.extui %parallel_loop3A_292 : i1 to i32
        %parallel_loop3A_294 = arith.subi %parallel_loop3A_290, %parallel_loop3A_293 : i32
        %parallel_loop3A_295 = arith.cmpi ne, %parallel_loop3A_287, %parallel_loop3A_294 : i32
        %parallel_loop3A_296 = arith.remsi %parallel_loop3A_273, %parallel_loop3A_279 : i32
        %parallel_loop3A_297 = arith.constant 0 : i32
        %parallel_loop3A_298 = arith.cmpi ne, %parallel_loop3A_296, %parallel_loop3A_297 : i32
        %parallel_loop3A_299 = arith.andi %parallel_loop3A_295, %parallel_loop3A_298 : i1
        %parallel_loop3A_300 = arith.constant 1 : i32
        %parallel_loop3A_301 = arith.subi %parallel_loop3A_280, %parallel_loop3A_300 : i32
        %parallel_loop3A_302 = arith.select %parallel_loop3A_299, %parallel_loop3A_301, %parallel_loop3A_280 : i32
        %parallel_loop3A_303 = arith.constant 8 : i32
        %parallel_loop3A_304 = arith.constant 0 : i32
        %parallel_loop3A_305 = arith.cmpi eq, %parallel_loop3A_303, %parallel_loop3A_304 : i32
        %parallel_loop3A_306 = arith.constant 1 : i32
        %parallel_loop3A_307 = arith.select %parallel_loop3A_305, %parallel_loop3A_306, %parallel_loop3A_303 : i32
        %parallel_loop3A_308 = arith.remsi %parallel_loop3A_273, %parallel_loop3A_307 : i32
        %parallel_loop3A_309 = arith.constant 0 : i32
        %parallel_loop3A_310 = arith.cmpi ne, %parallel_loop3A_308, %parallel_loop3A_309 : i32
        %parallel_loop3A_311 = arith.constant 0 : i32
        %parallel_loop3A_312 = arith.cmpi slt, %parallel_loop3A_308, %parallel_loop3A_311 : i32
        %parallel_loop3A_313 = arith.constant 0 : i32
        %parallel_loop3A_314 = arith.cmpi slt, %parallel_loop3A_307, %parallel_loop3A_313 : i32
        %parallel_loop3A_315 = arith.xori %parallel_loop3A_312, %parallel_loop3A_314 : i1
        %parallel_loop3A_316 = arith.andi %parallel_loop3A_315, %parallel_loop3A_310 : i1
        %parallel_loop3A_317 = arith.addi %parallel_loop3A_308, %parallel_loop3A_307 : i32
        %parallel_loop3A_318 = arith.select %parallel_loop3A_316, %parallel_loop3A_317, %parallel_loop3A_308 : i32
        %parallel_loop3A_319 = arith.constant 16 : i32
        %parallel_loop3A_320 = arith.muli %parallel_loop3A_318, %parallel_loop3A_319 : i32
        %parallel_loop3A_321 = arith.index_cast %parallel_loop3A_302 : i32 to index
        %parallel_loop3A_322 = arith.index_cast %parallel_loop3A_320 : i32 to index
        %parallel_loop3A_323 = tpu.vector_load %arg12[%parallel_loop3A_321, %parallel_loop3A_322] {strides = array<i32>} : memref<25x128xf32, #tpu.memory_space<vmem>>, vector<16xf32>,
        %parallel_loop3A_324 = arith.index_cast %parallel_loop3A_275 : i32 to index
        %parallel_loop3A_325 = tpu.vector_load %arg11[%parallel_loop3A_324] {strides = array<i32>} : memref<3200xf32, #tpu.memory_space<vmem>>, vector<16xf32>,
        %parallel_loop3A_326 = arith.subf %parallel_loop3A_325, %parallel_loop3A_278 : vector<16xf32>
        %parallel_loop3A_327 = math.exp %parallel_loop3A_326 : vector<16xf32>
        %parallel_loop3A_328 = arith.mulf %parallel_loop3A_323, %parallel_loop3A_327 : vector<16xf32>
        %parallel_loop3A_329 = arith.index_cast %parallel_loop3A_275 : i32 to index
        %parallel_loop3A_330 = tpu.vector_load %arg13[%parallel_loop3A_329] {strides = array<i32>} : memref<3200xf32, #tpu.memory_space<vmem>>, vector<16xf32>,
        tpu.vector_store %arg13[%parallel_loop3A_329], %parallel_loop3A_328 {strides = array<i32>} : memref<3200xf32, #tpu.memory_space<vmem>>, vector<16xf32>,
      } {sc.loop_unroll_factor = 4 : i64, sc.parallel_access}
      %mul3A_269 = arith.constant 1600000 : i32
      %mul3A_270 = arith.muli %add3A, %mul3A_269 : i32
      %add3A_271 = arith.addi %mul3A_270, %multiple_of3A : i32
      "tpu.region"() ({
        %run_scoped3A = tpu.sem_alloc : memref<!tpu.dma_semaphore, #tpu.memory_space<semaphore_mem>>
        %dma_start3A = tpu.memref_slice %arg5[%add3A_271] : memref<12800000xf32, #tpu.memory_space<hbm>> -> memref<3200xf32, #tpu.memory_space<hbm>>
        %dma_start3A_273 = tpu.memref_slice %arg5[%add3A_271] : memref<12800000xf32, #tpu.memory_space<hbm>> -> memref<3200xf32, #tpu.memory_space<hbm>>
        tpu.enqueue_dma source(%arg13 : memref<3200xf32, #tpu.memory_space<vmem>>) target(%dma_start3A_273 : memref<3200xf32, #tpu.memory_space<hbm>>) target_semaphore(%run_scoped3A : memref<!tpu.dma_semaphore, #tpu.memory_space<semaphore_mem>>)
        %dma_wait3A = tpu.memref_slice %arg5[%add3A_271] : memref<12800000xf32, #tpu.memory_space<hbm>> -> memref<3200xf32, #tpu.memory_space<hbm>>
        %dma_wait3A_274 = tpu.memref_slice %arg5[%add3A_271] : memref<12800000xf32, #tpu.memory_space<hbm>> -> memref<3200xf32, #tpu.memory_space<hbm>>
        tpu.wait_dma2 semaphore(%run_scoped3A : memref<!tpu.dma_semaphore, #tpu.memory_space<semaphore_mem>>) src(%arg13 : memref<3200xf32, #tpu.memory_space<vmem>>) dst(%dma_wait3A_274 : memref<3200xf32, #tpu.memory_space<hbm>>)
        tpu.yield
      }) : () -> ()
      %scan3A_272 = arith.constant 0 : i32
      scf.yield %scan3A_272 : i32
    }
    %scan3A_251 = arith.constant 125 : i32
    return
  }
}

</mosaic_0001>

<sc_bundles>
// kernel: kernel.3.cloned.1.call-start
scs
__scs_entry_jumppad:
0x0: {  	(pc) =	sbr.rel $0x88, $3  }
0x1: {  	(tag) =	ssettag $0x0;
	lr =	simm.s32 $0x1  }
0x2: {  	[smem:$0x3F9E] =	sst lr;
	_ =	strace $0xD0000000  }
0x3: {  	_ = 	snop  }
0x4: {  	_ = 	snop  }
0x5: {  	_ = 	snop  }
0x6: {  	_ = 	snop  }
0x7: {  	_ = 	snop  }
__scs_overlays_trampoline_lowered:
0x8: {  	[smem:$0x3FAD] =	sst s0  }
0x9: {  	[smem:$0x3FAE] =	sst s1  }
0xa: {  	[smem:$0x3FAF] =	sst s2  }
0xb: {  	[smem:$0x3FB0] =	sst s3  }
0xc: {  	[smem:$0x3FB1] =	sst s4  }
0xd: {  	[smem:$0x3FB2] =	sst s5  }
0xe: {  	[smem:$0x3FB3] =	sst s6  }
0xf: {  	[smem:$0x3FB4] =	sst s7  }
0x10: {  	[smem:$0x3FB5] =	sst s8  }
0x11: {  	[smem:$0x3FB6] =	sst s9;
	s0 =	simm.s32 @!p0 $0x0  }
0x12: {  	s1 =	sld [smem:$0x3F9C];
	s0 =	simm.s32 @p0 $0x1  }
0x13: {  	[smem:$0x3FB7] =	sst s0;
	s0 =	simm.s32 @!p1 $0x0  }
0x14: {  	s2 =	sld [smem:$0x3F9B];
	s0 =	simm.s32 @p1 $0x1  }
0x15: {  	[smem:$0x3FB8] =	sst s0;
	s0 =	simm.s32 @!p2 $0x0  }
0x16: {  	s3 =	sld [smem:$0x3FDB];
	s0 =	simm.s32 @p2 $0x1  }
0x17: {  	s4 =	simm.s32 $0x1BF5;
	[smem:$0x3FBA] =	sst s0  }
0x18: {  	s0 =	sld [smem:$0x3F9D];
	_ =	swait.ge [sflag:s4], $0x0  }
0x19: {  	s7 =	sld [smem:$0x3F9E]  }
0x1a: {  	s8 =	sadd.s32 $0xFFFFE003, lr  }
0x1b: {  	s9 =	sadd.s32 $0xFFFFFEF7, lr;
	s5 =	simm.s32 $0xFFFFFFFF;
	p2 =	slt.u32 s8, $0xFFFFF086  }
0x1c: {  	p1 =	slt.u32 s9, $0xF7A;
	s5 =	simm.s32 @!p2 $0x0  }
0x1d: {  	s5 =	simm.s32 @p1 $0x1;
	p0 =	seq.s32 s7, s2  }
0x1e: {  	s7 =	smul.u32 @!p0 $0xF7A, s2;
	p2 =	seq.s32 @!p0 s5, $0x0  }
0x1f: {  	s9 =	smul.u32 $0xF7A, s1;
	s8 =	simm.s32 @!p0 $0x1BF5;
	p2 =	por !p2, p0  }
0x20: {  	[sflag:s8] =	ssyncset.s32 @!p0 $0xFFFFF086;
	s6 =	sadd.s32 @!p0 s3, s7;
	s7 =	simm.s32 @!p0 $0x108  }
0x21: {  	s3 =	sadd.s32 s3, s9;
	s6 =	sadd.s32 @!p0 $0x88, s6;
	s7 =	simm.s32 @p2 $0x1082  }
0x22: {  	[simem:s7], [sflag:s8] =	dma.local @!p0 [hbm:s6], $0xF7A  }
0x23: {  	s9 =	sor.u32 $0xD0000000, s2;
	s6 =	simm.s32 $0x108;
	_ =	swait.ge @!p0 [sflag:s8], $0x0  }
0x24: {  	s3 =	sadd.s32 $0x88, s3;
	s6 =	simm.s32 @!p1 $0x1082;
	[sflag:s4] =	ssyncset.s32 $0xFFFFF086  }
0x25: {  	[simem:s6], [sflag:s4] =	dma.local [hbm:s3], $0xF7A  }
0x26: {  	[smem:$0x3F9E] =	sst s1;
	(tag) =	ssettag s2;
	_ =	strace s9  }
0x27: {  	s1 =	sld [smem:$0x3FAE]  }
0x28: {  	s2 =	sld [smem:$0x3FAF]  }
0x29: {  	s4 =	sld [smem:$0x3FB1]  }
0x2a: {  	p0 =	seq.s32 s5, $0x0;
	s5 =	sld [smem:$0x3FB2]  }
0x2b: {  	s6 =	sld [smem:$0x3FB3]  }
0x2c: {  	s7 =	sld [smem:$0x3FB4]  }
0x2d: {  	s3 =	simm.s32 $0x108;
	s8 =	sld [smem:$0x3FB5]  }
0x2e: {  	s3 =	simm.s32 @!p0 $0x1082;
	s9 =	sld [smem:$0x3FB6]  }
0x2f: {  	lr =	sadd.s32 s0, s3;
	s0 =	sld [smem:$0x3FAD]  }
0x30: {  	s3 =	sld [smem:$0x3FB0]  }
0x31: {  	[smem:$0x3FB9] =	sst s10  }
0x32: {  	s10 =	sld [smem:$0x3FB7];
	_ =	sdelay $0x3  }
0x33: {  	p0 =	seq.s32 s10, $0x1;
	s10 =	sld [smem:$0x3FB9];
	_ =	sdelay $0x3  }
0x34: {  	[smem:$0x3FB9] =	sst s10  }
0x35: {  	s10 =	sld [smem:$0x3FB8];
	_ =	sdelay $0x3  }
0x36: {  	p1 =	seq.s32 s10, $0x1;
	s10 =	sld [smem:$0x3FB9];
	_ =	sdelay $0x3  }
0x37: {  	[smem:$0x3FB9] =	sst s10  }
0x38: {  	s10 =	sld [smem:$0x3FBA]  }
0x39: {  	_ = 	snop;
	(pc) =	sbr.ind lr, $3  }
0x3a: {  	_ = 	snop  }
0x3b: {  	_ = 	snop  }
0x3c: {  	p2 =	seq.s32 s10, $0x1;
	s10 =	sld [smem:$0x3FB9]  }
0x3d: {  	_ =	shalt  }
0x3e: {  	_ =	shalt  }
0x3f: {  	_ =	shalt  }
0x40: {  	_ =	shalt  }
0x41: {  	_ =	shalt  }
0x42: {  	_ =	shalt  }
0x43: {  	_ =	shalt  }
0x44: {  	_ =	shalt  }
0x45: {  	_ =	shalt  }
0x46: {  	_ =	shalt  }
0x47: {  	_ =	shalt  }
0x48: {  	_ =	shalt  }
0x49: {  	_ =	shalt  }
0x4a: {  	_ =	shalt  }
0x4b: {  	_ =	shalt  }
0x4c: {  	_ =	shalt  }
0x4d: {  	_ =	shalt  }
0x4e: {  	_ =	shalt  }
0x4f: {  	_ =	shalt  }
0x50: {  	_ =	shalt  }
0x51: {  	_ =	shalt  }
0x52: {  	_ =	shalt  }
0x53: {  	_ =	shalt  }
0x54: {  	_ =	shalt  }
0x55: {  	_ =	shalt  }
0x56: {  	_ =	shalt  }
0x57: {  	_ =	shalt  }
0x58: {  	_ =	shalt  }
0x59: {  	_ =	shalt  }
0x5a: {  	_ =	shalt  }
0x5b: {  	_ =	shalt  }
0x5c: {  	_ =	shalt  }
0x5d: {  	_ =	shalt  }
0x5e: {  	_ =	shalt  }
0x5f: {  	_ =	shalt  }
0x60: {  	_ =	shalt  }
0x61: {  	_ =	shalt  }
0x62: {  	_ =	shalt  }
0x63: {  	_ =	shalt  }
0x64: {  	_ =	shalt  }
0x65: {  	_ =	shalt  }
0x66: {  	_ =	shalt  }
0x67: {  	_ =	shalt  }
0x68: {  	_ =	shalt  }
0x69: {  	_ =	shalt  }
0x6a: {  	_ =	shalt  }
0x6b: {  	_ =	shalt  }
0x6c: {  	_ =	shalt  }
0x6d: {  	_ =	shalt  }
0x6e: {  	_ =	shalt  }
0x6f: {  	_ =	shalt  }
0x70: {  	_ =	shalt  }
0x71: {  	_ =	shalt  }
0x72: {  	_ =	shalt  }
0x73: {  	_ =	shalt  }
0x74: {  	_ =	shalt  }
0x75: {  	_ =	shalt  }
0x76: {  	_ =	shalt  }
0x77: {  	_ =	shalt  }
0x78: {  	_ =	shalt  }
0x79: {  	_ =	shalt  }
0x7a: {  	_ =	shalt  }
0x7b: {  	_ =	shalt  }
0x7c: {  	_ =	shalt  }
0x7d: {  	_ =	shalt  }
0x7e: {  	_ =	shalt  }
0x7f: {  	_ =	shalt  }
0x80: {  	_ =	shalt  }
0x81: {  	_ =	shalt  }
0x82: {  	_ =	shalt  }
0x83: {  	_ =	shalt  }
0x84: {  	_ =	shalt  }
0x85: {  	_ =	shalt  }
0x86: {  	_ =	shalt  }
0x87: {  	_ =	shalt  }
.Lfunc_end0:
.L_simem_size_0:
called_computation_lowered:
.L_overlay_start_0:
0x88: {  	s2 =	sld [smem:$0x3FD9]  }
0x89: {  	s3 =	sld [smem:$0x3FFE];
	_ =	sdelay $0x1  }
0x8a: {  	s1 =	srdreg.scid  }
0x8b: {  	s0 =	sand.u32 $0x1, s1  }
0x8c: {  	s17 =	sshll.u32 s0, $0xA;
	s2 =	sadd.s32 s3, s2  }
0x8d: {  	s2 =	sadd.s32 s2, s17  }
0x8e: {  	[smem:$0x3FC5] =	sst s2  }
0x8f: {  	_ = 	snop  }
0x90: {  	s2 =	sld [smem:$0x3FC8]  }
0x91: {  	s18 =	sld [smem:$0x3FC7]  }
0x92: {  	s4 =	sld [smem:$0x3FD0];
	(tm) =	ssettm $0x1  }
0x93: {  	s5 =	sld [smem:$0x3FFB];
	_ =	sdelay $0x3  }
0x94: {  	_ =	strace s5  }
0x95: {  	s5 =	sld [smem:$0x3FFC];
	_ =	sdelay $0x3  }
0x96: {  	_ =	strace s5  }
0x97: {  	s5 =	sld [smem:$0x3FFD];
	_ =	sdelay $0x3  }
0x98: {  	_ =	strace s5  }
0x99: {  	_ =	strace $0x8FFFFFFF  }
0x9a: {  	s19 =	sld [smem:$0x3FDB];
	_ =	sdelay $0x1  }
0x9b: {  	s6 =	simm.s32 $_scs_section_size  }
0x9c: {  	s7 =	simm.s32 $_size__tile_overlayer_lowered;
	s8 =	simm.s32 $_tile_overlayer_lowered  }
0x9d: {  	s22 =	simm.s32 $0x1BFF;
	s21 =	sshll.u32 s8, $0x1;
	s5 =	sadd.s32 s6, s19  }
0x9e: {  	s9 =	simm.s32 $0x0;
	s20 =	sshll.u32 s7, $0x1;
	s7 =	sadd.s32 s21, s5  }
0x9f: {  	[timem:s9], [sflag:s22] =	dma.local [hbm:s7], s20  }
0xa0: {  	_ =	swait.ge [sflag:s22], s20  }
0xa1: {  	s6 =	ssub.s32 $0x0, s20;
	[sflag:s22] =	ssyncset.done $0x0  }
0xa2: {  	[sflag:s22] =	ssyncadd.s32 s6;
	_ =	sdelay $0x1  }
0xa3: {  	s23 =	simm.s32 $0x1B8B  }
0xa4: {  	_ =	swait.ge [sflag:s23], $0x1  }
0xa5: {  	[sflag:s23] =	ssyncset.done $0x0  }
0xa6: {  	s25 =	simm.s32 $0x1B8E;
	s24 =	sld [smem:$0x3FFE];
	[sflag:s23] =	ssyncadd.s32 $0xFFFFFFFF  }
0xa7: {  	s26 =	simm.s32 $execute0_lowered;
	[smem:$0x3FD2] =	sst s25  }
0xa8: {  	s7 =	sshll.u32 s26, $0x1;
	_ =	strace $0x80000046;
	[dreg:$0x1] =	wrdreg $0xFFFFFFFF  }
0xa9: {  	s28 =	simm.s32 $_size_execute0_lowered;
	s5 =	sadd.s32 s5, s7;
	[dreg:$0x0] =	wrdreg $0x0  }
0xaa: {  	s7 =	sshll.u32 s28, $0x1;
	[dreg:$0x2] =	wrdreg s5  }
0xab: {  	[dreg:$0x3] =	wrdreg s7  }
0xac: {  	[dreg:$0x4] =	wrdreg $0xC0  }
0xad: {  	_ =	task [dreg:s9], $0x5FFFF  }
0xae: {  	[dreg:$0x1] =	wrdreg $0xFFFFFFFF  }
0xaf: {  	[dreg:$0x0] =	wrdreg $0x60  }
0xb0: {  	[dreg:$0x2] =	wrdreg s24  }
0xb1: {  	[dreg:$0x3] =	wrdreg s2  }
0xb2: {  	[dreg:$0x4] =	wrdreg s18  }
0xb3: {  	[dreg:$0x5] =	wrdreg s4  }
0xb4: {  	[dreg:$0x6] =	wrdreg $0x9  }
0xb5: {  	_ =	task.clear_ibuf [dreg:s9], $0x7FFFF;
	_ =	strace $0x90000046  }
0xb6: {  	s29 =	simm.s32 $0x9;
	_ =	strace $0x80000048  }
0xb7: {  	_ =	swait.ge [sflag:s29], $0x1  }
0xb8: {  	[sflag:s29] =	ssyncadd.s32 $0xFFFFFFFF  }
0xb9: {  	_ =	strace $0x90000048  }
0xba: {  	_ =	sfence  }
0xbb: {  	s30 =	sld [smem:$0x0];
	_ =	sdelay $0x2  }
0xbc: {  	s31 =	sshll.u32 s1, $0xD;
	s1 =	sshrl.u32 s1, $0x2  }
0xbd: {  	s3 =	sand.u32 $0x4000, s31;
	s1 =	sadd.s32 s1, s30  }
0xbe: {  	s0 =	sor.u32 s3, s0;
	s1 =	sshll.u32 s1, $0x11  }
0xbf: {  	s0 =	sor.u32 s1, s0  }
0xc0: {  	s0 =	sadd.s32 $0x8F2B, s0  }
0xc1: {  	[sflag:s0] =	ssyncadd.remote.s32 $0x1  }
0xc2: {  	_ =	sfence.sel $0xFFFF  }
0xc3: {  	[dreg:$0x0] =	wrdreg $0xFFFFFFFF;
	(pc) =	sbr.abs _section_cstart, $3  }
0xc4: {  	[dreg:$0x1] =	wrdreg $0xFFFFFFFF  }
0xc5: {  	_ =	task.clear_ibuf [dreg:s9], $0x2FFFF;
	_ =	strace $0x9FFFFFFF  }
0xc6: {  	(tm) =	ssettm $0x7FFFFFFF  }
0xc7: {  	_ =	shalt  }
tec
execute0_lowered:
.L_overlay_start_1:
0x0: {  	(tag) =	ssettag $0x1  }
0x1: {  	s0 =	srdreg.scid;
	s10 =	stileid.u32  }
0x2: {  	s3 =	sand.u32 $0x1, s0;
	s1 =	sand.u32 $0x3, s10  }
0x3: {  	s0 =	rddreg [dreg:$0x0];
	s4 =	sshll.u32 s3, $0x4;
	s28 =	smul.u32 $0x61A80, s1  }
0x4: {  	s16 =	sand.u32 $0xC, s10;
	s31 =	smul.u32 $0xC35, s1;
	s6 =	sor.u32 s10, s4  }
0x5: {  	s17 =	sshrl.u32 s10, $0x2;
	s2 =	ssub.s32 $0x2, s3;
	s8 =	smul.u32 $0x1870, s6  }
0x6: {  	s5 =	sadd.s32 $0x31200, s0;
	s3 =	sshll.u32 s3, $0x2;
	s9 =	smul.u32 $0xC380, s6  }
0x7: {  	s7 =	sshrl.u32 s2, $0x1;
	s4 =	sor.u32 s16, s4;
	s6 =	smul.u32 $0x30E0, s1  }
0x8: {  	s29 =	sadd.s32 $0x400, s0;
	s2 =	ssub.s32 s2, s7;
	s10 =	smul.u32 $0xC380, s4  }
0x9: {  	s4 =	sor.u32 s17, s3;
	s1 =	simm.s32 $0x1;
	s18 =	sadd.s32 s5, s8  }
0xa: {  	s19 =	sshrl.u32 s9, $0x3;
	s20 =	sadd.s32 s6, s10;
	s21 =	sadd.s32 $0xC380, s10  }
0xb: {  	s11 =	sadd.s32 $0x18700, s10;
	s26 =	sadd.s32 $0x24A80, s10;
	s12 =	sadd.s32 $0x187000, s10  }
0xc: {  	s14 =	sadd.s32 $0x193380, s10;
	[dreg:$0x5] =	wrdreg s18;
	s3 =	sadd.s32 s5, s19  }
0xd: {  	s7 =	sshrl.u32 s20, $0x3;
	s22 =	sadd.s32 s6, s21;
	s24 =	sadd.s32 s6, s11  }
0xe: {  	s30 =	sadd.s32 s6, s26;
	s7 =	sadd.s32 s5, s7;
	s23 =	sshrl.u32 s22, $0x3  }
0xf: {  	s25 =	sshrl.u32 s24, $0x3;
	[dreg:$0x6] =	wrdreg s7;
	s7 =	sadd.s32 s5, s23  }
0x10: {  	s13 =	sadd.s32 s6, s12;
	[dreg:$0x7] =	wrdreg s7;
	s7 =	sadd.s32 s5, s25  }
0x11: {  	s15 =	sadd.s32 s6, s14;
	[dreg:$0x8] =	wrdreg s7;
	s7 =	sshrl.u32 s30, $0x3  }
0x12: {  	s13 =	sshrl.u32 s13, $0x3;
	s16 =	sshrl.u32 s15, $0x3;
	s7 =	sadd.s32 s5, s7  }
0x13: {  	s15 =	sadd.s32 $0x1ABA80, s10;
	[dreg:$0x9] =	wrdreg s7;
	s7 =	sadd.s32 s5, s13  }
0x14: {  	s13 =	sadd.s32 $0x19F700, s10;
	[dreg:$0xa] =	wrdreg s7;
	s7 =	sadd.s32 s5, s16  }
0x15: {  	s17 =	sadd.s32 s6, s13;
	s16 =	sadd.s32 s6, s15;
	[dreg:$0xb] =	wrdreg s7  }
0x16: {  	s7 =	sshrl.u32 s17, $0x3;
	s17 =	sadd.s32 $0x1870, s6;
	s18 =	sshrl.u32 s16, $0x3  }
0x17: {  	s16 =	sadd.s32 $0x92E00, s0;
	s0 =	simm.s32 $0x18700;
	s7 =	sadd.s32 s5, s7  }
0x18: {  	s10 =	sadd.s32 s17, s10;
	s8 =	sadd.s32 s17, s21;
	s21 =	sadd.s32 s17, s11  }
0x19: {  	s23 =	sadd.s32 s17, s26;
	s25 =	sadd.s32 s17, s12;
	s30 =	sadd.s32 s17, s14  }
0x1a: {  	s11 =	sadd.s32 s17, s15;
	s12 =	smul.u32 $0xC380, s4;
	[dreg:$0xc] =	wrdreg s7  }
0x1b: {  	s7 =	sadd.s32 s5, s18;
	s19 =	sshrl.u32 s10, $0x3;
	s20 =	sshrl.u32 s8, $0x3  }
0x1c: {  	s22 =	sshrl.u32 s21, $0x3;
	s24 =	sshrl.u32 s23, $0x3;
	s26 =	sshrl.u32 s25, $0x3  }
0x1d: {  	s9 =	sshrl.u32 s30, $0x3;
	s10 =	sadd.s32 s17, s13;
	s21 =	rddreg [dreg:$0x2]  }
0x1e: {  	s14 =	sshrl.u32 s11, $0x3;
	s18 =	simm.s32 $0x0;
	[dreg:$0xd] =	wrdreg s7  }
0x1f: {  	s25 =	smul.u32 $0x186A00, s4;
	s7 =	sadd.s32 s5, s19;
	[smem:$0x7FF] =	sst s18  }
0x20: {  	s4 =	sshll.u32 s4, $0x4;
	s23 =	sadd.s32 $0x30E00, s3;
	[dreg:$0xe] =	wrdreg s7  }
0x21: {  	s8 =	sshrl.u32 s10, $0x3;
	s7 =	sadd.s32 s5, s20;
	s20 =	rddreg [dreg:$0x1]  }
0x22: {  	s30 =	smax.u32 s2, $0x1;
	s13 =	sadd.s32 s5, s8;
	[dreg:$0xf] =	wrdreg s7  }
0x23: {  	s19 =	sshrl.u32 s12, $0x3;
	s7 =	sadd.s32 s5, s22;
	[dreg:$0x14] =	wrdreg s13  }
0x24: {  	s2 =	simm.s32 $0x19380;
	s22 =	sadd.s32 s16, s19;
	[dreg:$0x10] =	wrdreg s7  }
0x25: {  	s3 =	simm.s32 $0xC380;
	s7 =	sadd.s32 s5, s24;
	[dreg:$0x18] =	wrdreg s22  }
0x26: {  	s15 =	sadd.s32 s6, s12;
	[dreg:$0x11] =	wrdreg s7;
	s7 =	sadd.s32 s5, s26  }
0x27: {  	[dreg:$0x12] =	wrdreg s7;
	s7 =	sadd.s32 s5, s9;
	s5 =	sadd.s32 s5, s14  }
0x28: {  	s11 =	simm.s32 $0x0;
	[dreg:$0x15] =	wrdreg s5;
	s5 =	sshrl.u32 s15, $0x3  }
0x29: {  	s17 =	sadd.s32 s17, s12;
	s24 =	rddreg [dreg:$0x3];
	s5 =	sadd.s32 s16, s5  }
0x2a: {  	s10 =	simm.s32 $0x1D500;
	[dreg:$0x16] =	wrdreg s5;
	s5 =	sshrl.u32 s17, $0x3  }
0x2b: {  	s6 =	simm.s32 $0x80;
	[dreg:$0x13] =	wrdreg s7;
	s5 =	sadd.s32 s16, s5  }
0x2c: {  	s8 =	simm.s32 $0x1A000;
	s26 =	sadd.s32 s21, s4;
	[dreg:$0x17] =	wrdreg s5  }
0x2d: {  	s9 =	simm.s32 $0x1B000;
	_ =	strace $0x80000047;
	[dreg:$0x19] =	wrdreg s23  }
0x2e: {  	v0 =	vimm.f32 $-Inf;
	v1 =	vimm.f32 $0.0e+00;
	s7 =	simm.s32 $0x400;
	s5 =	simm.s32 $0x1BC80;
	[dreg:$0x1a] =	wrdreg s30  }
.LBB2_1:
0x2f: {  	[dreg:$0x1b] =	wrdreg s11;
	s11 =	simm.s32 $0x40;
	s12 =	simm.s32 $0x0  }
.LBB2_2:
0x30: {  	p0 =	sne.s32 s11, $0x30DC0;
	[tilespmem:s12+$0x0] =	vst v0;
	s13 =	smov.u32 s11;
	s11 =	sadd.s32 $0x40, s11  }
.Ltmp0:
0x31: {  	[tilespmem:s12+$0xC380] =	vst v0;
	(pc) =	sbr.rel @p0 .LBB2_2-.Ltmp0, $2  }
0x32: {  	_ =	sdelay $0x2  }
0x33: {  	s12 =	sshra.s32 s13, $0x2  }
.Ltmp1:
0x34: {  	(pc) =	sbr.rel .LBB2_4-.Ltmp1, $3  }
0x35: {  	_ =	sdelay $0x1  }
0x36: {  	[tilespmem:s12+$0x0] =	vst v0  }
0x37: {  	s11 =	simm.s32 $0x0;
	[tilespmem:s12+$0xC380] =	vst v0;
	s12 =	simm.s32 $0x0  }
.LBB2_9:
0x38: {  	s12 =	sadd.s32 $0x1, s12  }
0x39: {  	p0 =	sne.s32 s12, $0x7D  }
.Ltmp2:
0x3a: {  	_ = 	snop;
	(pc) =	sbr.rel @!p0 .LBB2_10-.Ltmp2, $1  }
0x3b: {  	_ =	sdelay $0x3  }
.LBB2_4:
0x3c: {  	s13 =	smul.u32 $0xC80, s12;
	_ =	sdelay $0x1  }
0x3d: {  	s13 =	sadd.s32 s28, s13  }
0x3e: {  	s14 =	sshrl.u32 s13, $0x3  }
0x3f: {  	s14 =	sadd.s32 s29, s14  }
0x40: {  	[tilespmem:s0], [sflag:$0x1] =	stream.linear.gather [hbm4b:s14+s11], $0xC80, $0x38;
	[tilespmem:$0x1ED80] =	vst v63  }
0x41: {  	s13 =	sadd.s32 s25, s13;
	_ =	swait.ge [sflag:s1], $0xC80  }
0x42: {  	s13 =	sshrl.u32 s13, $0x3;
	[sflag:s1] =	ssyncset.done $0x0  }
.Ltmp3:
0x43: {  	s13 =	sadd.s32 s20, s13;
	[sflag:s1] =	ssyncadd.s32 $0xFFFFF380;
	(pc) =	sbr.rel .LBB2_5-.Ltmp3, $4  }
0x44: {  	[tilespmem:s2], [sflag:$0x1] =	stream.linear.gather [hbm4b:s13+s11], $0xC80, $0x38;
	[tilespmem:$0x1ED80] =	vst v63  }
0x45: {  	_ =	swait.ge [sflag:s1], $0xC80  }
0x46: {  	[sflag:s1] =	ssyncset.done $0x0  }
0x47: {  	s13 =	simm.s32 $0x0;
	[sflag:s1] =	ssyncadd.s32 $0xFFFFF380  }
.LBB2_8:
0x48: {  	s13 =	sadd.s32 $0x1, s13  }
0x49: {  	p0 =	sne.s32 s13, $0x14  }
.Ltmp4:
0x4a: {  	_ = 	snop;
	(pc) =	sbr.rel @!p0 .LBB2_9-.Ltmp4, $1  }
0x4b: {  	_ =	sdelay $0x3  }
.LBB2_5:
0x4c: {  	s14 =	smul.u32 $0xA0, s13;
	_ =	sdelay $0x1  }
0x4d: {  	v2 =	vld [tilespmem:s14+$0x18700]  }
0x4e: {  	v3 =	vld [tilespmem:s14+$0x18710]  }
0x4f: {  	v4 =	vld [tilespmem:s14+$0x18720]  }
0x50: {  	v5 =	vld [tilespmem:s14+$0x18730]  }
0x51: {  	v6 =	vld [tilespmem:s14+$0x18740]  }
0x52: {  	v7 =	vld [tilespmem:s14+$0x18750]  }
0x53: {  	v8 =	vld [tilespmem:s14+$0x18760]  }
0x54: {  	v9 =	vld [tilespmem:s14+$0x18770]  }
0x55: {  	v11 =	vld [tilespmem:s14+$0x18790]  }
0x56: {  	v12 =	vld [tilespmem:s14+$0x19380]  }
0x57: {  	v13 =	vld [tilespmem:s14+$0x19390]  }
0x58: {  	v14 =	vld [tilespmem:s14+$0x193A0]  }
0x59: {  	v15 =	vld [tilespmem:s14+$0x193B0]  }
0x5a: {  	v16 =	vld [tilespmem:s14+$0x193C0]  }
0x5b: {  	v17 =	vld [tilespmem:s14+$0x193D0]  }
0x5c: {  	v18 =	vld [tilespmem:s14+$0x193E0]  }
0x5d: {  	v19 =	vld [tilespmem:s14+$0x193F0]  }
0x5e: {  	s15 =	sand.u32 $0x1FE0, s14;
	v21 =	vld [tilespmem:s14+$0x19410]  }
0x5f: {  	v10 =	vld [tilespmem:s15+$0x18780]  }
0x60: {  	v20 =	vld [tilespmem:s15+$0x19400]  }
.LBB2_6:
0x61: {  	_ =	sdelay $0x3  }
0x62: {  	v22 =	vld.idx.msk [tilespmem:v2+s18+$0x0], $0xffff  }
0x63: {  	v23 =	vld.idx.msk [tilespmem:v3+s3+$0x0], $0xffff  }
0x64: {  	v24 =	vld.idx.msk [tilespmem:v4+s18+$0x0], $0xffff  }
0x65: {  	v25 =	vld.idx.msk [tilespmem:v5+s3+$0x0], $0xffff  }
0x66: {  	v26 =	vld.idx.msk [tilespmem:v6+s18+$0x0], $0xffff  }
0x67: {  	v27 =	vld.idx.msk [tilespmem:v7+s3+$0x0], $0xffff  }
0x68: {  	v28 =	vld.idx.msk [tilespmem:v8+s18+$0x0], $0xffff;
	vm0 =	vgt.f32 v12, v22;
	vm1 =	vgt.f32 v13, v23  }
0x69: {  	v22 =	vld.idx.msk [tilespmem:v9+s3+$0x0], $0xffff;
	vm2 =	vgt.f32 v14, v24;
	vm3 =	vmor vm0, vm1  }
0x6a: {  	v23 =	vld.idx.msk [tilespmem:v10+s18+$0x0], $0xffff;
	vm4 =	vmor vm3, vm2;
	vm3 =	vgt.f32 v15, v25  }
0x6b: {  	v63 =	vld.idx.msk [tilespmem:v11+s3+$0x0], $0xffff;
	vm5 =	vmor vm4, vm3;
	vm4 =	vgt.f32 v16, v26  }
0x6c: {  	vm6 =	vmor vm5, vm4;
	vm5 =	vgt.f32 v17, v27  }
0x6d: {  	vm7 =	vmor vm6, vm5;
	vm6 =	vgt.f32 v18, v28  }
0x6e: {  	vm8 =	vmor vm7, vm6;
	vm7 =	vgt.f32 v19, v22  }
0x6f: {  	vm9 =	vmor vm8, vm7;
	vm8 =	vgt.f32 v20, v23  }
0x70: {  	vm10 =	vmor vm9, vm8;
	vm9 =	vgt.f32 v21, v63  }
0x71: {  	vm10 =	vmor vm10, vm9  }
0x72: {  	v22 =	vsel vm10, $0x3F800000, v1  }
0x73: {  	(xrf0) =	vmax.scan.msk.f32 $0xffff, v22;
	_ =	sdelay $0x5  }
0x74: {  	v22, _, _ =	vpop (xrf0)  }
0x75: {  	(v2sf) =	vpush v22, $0xF;
	_ =	sdelay $0xe  }
0x76: {  	s14 =	spop (v2sf)  }
0x77: {  	p0 =	sgt.f32 s14, $0.0e+00  }
.Ltmp5:
0x78: {  	_ = 	snop;
	(pc) =	sbr.rel @!p0 .LBB2_8-.Ltmp5, $1  }
0x79: {  	_ =	sdelay $0x3  }
0x7a: {  	_ =	sdelay $0x4  }
0x7b: {  	[tilespmem:v2+s18+$0x0] =	vst.idx.msk vm0, v12  }
0x7c: {  	[tilespmem:v3+s3+$0x0] =	vst.idx.msk vm1, v13  }
0x7d: {  	[tilespmem:v4+s18+$0x0] =	vst.idx.msk vm2, v14  }
0x7e: {  	[tilespmem:v5+s3+$0x0] =	vst.idx.msk vm3, v15  }
0x7f: {  	[tilespmem:v6+s18+$0x0] =	vst.idx.msk vm4, v16  }
.Ltmp6:
0x80: {  	[tilespmem:v7+s3+$0x0] =	vst.idx.msk vm5, v17;
	(pc) =	sbr.rel .LBB2_6-.Ltmp6, $4  }
0x81: {  	[tilespmem:v8+s18+$0x0] =	vst.idx.msk vm6, v18  }
0x82: {  	[tilespmem:v9+s3+$0x0] =	vst.idx.msk vm7, v19  }
0x83: {  	[tilespmem:v10+s18+$0x0] =	vst.idx.msk vm8, v20  }
0x84: {  	[tilespmem:v11+s3+$0x0] =	vst.idx.msk vm9, v21  }
.LBB2_10:
0x85: {  	s11 =	simm.s32 $0x0;
	s4 =	rddreg [dreg:$0x5]  }
0x86: {  	[hbm4b:s4+s11] =	stream.linear.scatter [tilespmem:s11], [sflag:$0x1], $0xC380, $0x38;
	[tilespmem:$0x1ED80] =	vst v63  }
0x87: {  	_ =	swait.ge [sflag:s1], $0xC380  }
0x88: {  	[sflag:s1] =	ssyncset.done $0x0  }
0x89: {  	s22 =	rddreg [dreg:$0x19];
	[sflag:s1] =	ssyncadd.s32 $0xFFFF3C80  }
0x8a: {  	[hbm4b:s22+s11] =	stream.linear.scatter [tilespmem:s3], [sflag:$0x1], $0xC380, $0x38;
	[tilespmem:$0x1ED80] =	vst v63  }
0x8b: {  	_ =	swait.ge [sflag:s1], $0xC380  }
0x8c: {  	[sflag:s1] =	ssyncset.done $0x0  }
0x8d: {  	[sflag:s1] =	ssyncadd.s32 $0xFFFF3C80  }
0x8e: {  	[bflag:$0x0] =	sbarrier.arrive $0xFFFF  }
0x8f: {  	s23 =	rddreg [dreg:$0x6]  }
0x90: {  	[tilespmem:s5], [sflag:$0x1] =	stream.linear.gather [hbm4b:s23+s11], $0x1870, $0x38;
	[tilespmem:$0x1ED80] =	vst v63  }
0x91: {  	_ =	swait.ge [sflag:s1], $0x1870  }
0x92: {  	[sflag:s1] =	ssyncset.done $0x0  }
0x93: {  	s30 =	rddreg [dreg:$0x7];
	[sflag:s1] =	ssyncadd.s32 $0xFFFFE790  }
0x94: {  	[tilespmem:s10], [sflag:$0x1] =	stream.linear.gather [hbm4b:s30+s11], $0x1870, $0x38;
	[tilespmem:$0x1ED80] =	vst v63  }
0x95: {  	_ =	swait.ge [sflag:s1], $0x1870  }
0x96: {  	[sflag:s1] =	ssyncset.done $0x0  }
0x97: {  	s11 =	simm.s32 $0x0;
	[sflag:s1] =	ssyncadd.s32 $0xFFFFE790  }
0x98: {  	s12 =	simm.s32 $0x40;
	v2 =	vld [tilespmem:s11+$0x1D500]  }
.LBB2_11:
0x99: {  	p0 =	sne.s32 s12, $0x6180;
	v3 =	vld [tilespmem:s11+$0x1BC80];
	_ =	sdelay $0x1  }
.Ltmp7:
0x9a: {  	(pc) =	sbr.rel @p0 .LBB2_11-.Ltmp7, $3  }
0x9b: {  	_ =	sdelay $0x1  }
0x9c: {  	s13 =	sshra.s32 s12, $0x2;
	v3 =	vmax.f32 v3, v2  }
0x9d: {  	s12 =	sadd.s32 $0x40, s12;
	v2 =	vld [tilespmem:s13+$0x1D500];
	[tilespmem:s11+$0x1BC80] =	vst v3;
	s11 =	smov.u32 s13  }
0x9e: {  	v3 =	vld [tilespmem:s11+$0x1BC80];
	_ =	sdelay $0x4  }
0x9f: {  	v2 =	vmax.f32 v3, v2  }
0xa0: {  	s30 =	simm.s32 $0x0;
	s4 =	rddreg [dreg:$0x8];
	[tilespmem:s11+$0x1BC80] =	vst v2  }
0xa1: {  	[tilespmem:s10], [sflag:$0x1] =	stream.linear.gather [hbm4b:s4+s30], $0x1870, $0x38;
	[tilespmem:$0x1ED80] =	vst v63  }
0xa2: {  	_ =	swait.ge [sflag:s1], $0x1870  }
0xa3: {  	[sflag:s1] =	ssyncset.done $0x0  }
0xa4: {  	s11 =	simm.s32 $0x0;
	[sflag:s1] =	ssyncadd.s32 $0xFFFFE790  }
0xa5: {  	s12 =	simm.s32 $0x40;
	v2 =	vld [tilespmem:s11+$0x1D500]  }
.LBB2_13:
0xa6: {  	p0 =	sne.s32 s12, $0x6180;
	v3 =	vld [tilespmem:s11+$0x1BC80];
	_ =	sdelay $0x1  }
.Ltmp8:
0xa7: {  	(pc) =	sbr.rel @p0 .LBB2_13-.Ltmp8, $3  }
0xa8: {  	_ =	sdelay $0x1  }
0xa9: {  	s13 =	sshra.s32 s12, $0x2;
	v3 =	vmax.f32 v3, v2  }
0xaa: {  	s12 =	sadd.s32 $0x40, s12;
	v2 =	vld [tilespmem:s13+$0x1D500];
	[tilespmem:s11+$0x1BC80] =	vst v3;
	s11 =	smov.u32 s13  }
0xab: {  	v3 =	vld [tilespmem:s11+$0x1BC80];
	_ =	sdelay $0x4  }
0xac: {  	v2 =	vmax.f32 v3, v2  }
0xad: {  	s30 =	simm.s32 $0x0;
	s4 =	rddreg [dreg:$0x9];
	[tilespmem:s11+$0x1BC80] =	vst v2  }
0xae: {  	[tilespmem:s10], [sflag:$0x1] =	stream.linear.gather [hbm4b:s4+s30], $0x1870, $0x38;
	[tilespmem:$0x1ED80] =	vst v63  }
0xaf: {  	_ =	swait.ge [sflag:s1], $0x1870  }
0xb0: {  	[sflag:s1] =	ssyncset.done $0x0  }
0xb1: {  	s11 =	simm.s32 $0x0;
	[sflag:s1] =	ssyncadd.s32 $0xFFFFE790  }
0xb2: {  	s12 =	simm.s32 $0x40;
	v2 =	vld [tilespmem:s11+$0x1D500]  }
.LBB2_15:
0xb3: {  	p0 =	sne.s32 s12, $0x6180;
	v3 =	vld [tilespmem:s11+$0x1BC80];
	_ =	sdelay $0x1  }
.Ltmp9:
0xb4: {  	(pc) =	sbr.rel @p0 .LBB2_15-.Ltmp9, $3  }
0xb5: {  	_ =	sdelay $0x1  }
0xb6: {  	s13 =	sshra.s32 s12, $0x2;
	v3 =	vmax.f32 v3, v2  }
0xb7: {  	s12 =	sadd.s32 $0x40, s12;
	v2 =	vld [tilespmem:s13+$0x1D500];
	[tilespmem:s11+$0x1BC80] =	vst v3;
	s11 =	smov.u32 s13  }
0xb8: {  	v3 =	vld [tilespmem:s11+$0x1BC80];
	_ =	sdelay $0x4  }
0xb9: {  	v2 =	vmax.f32 v3, v2  }
0xba: {  	s30 =	simm.s32 $0x0;
	s4 =	rddreg [dreg:$0xa];
	[tilespmem:s11+$0x1BC80] =	vst v2  }
0xbb: {  	[tilespmem:s10], [sflag:$0x1] =	stream.linear.gather [hbm4b:s4+s30], $0x1870, $0x38;
	[tilespmem:$0x1ED80] =	vst v63  }
0xbc: {  	_ =	swait.ge [sflag:s1], $0x1870  }
0xbd: {  	[sflag:s1] =	ssyncset.done $0x0  }
0xbe: {  	s11 =	simm.s32 $0x0;
	[sflag:s1] =	ssyncadd.s32 $0xFFFFE790  }
0xbf: {  	s12 =	simm.s32 $0x40;
	v2 =	vld [tilespmem:s11+$0x1D500]  }
.LBB2_17:
0xc0: {  	p0 =	sne.s32 s12, $0x6180;
	v3 =	vld [tilespmem:s11+$0x1BC80];
	_ =	sdelay $0x1  }
.Ltmp10:
0xc1: {  	(pc) =	sbr.rel @p0 .LBB2_17-.Ltmp10, $3  }
0xc2: {  	_ =	sdelay $0x1  }
0xc3: {  	s13 =	sshra.s32 s12, $0x2;
	v3 =	vmax.f32 v3, v2  }
0xc4: {  	s12 =	sadd.s32 $0x40, s12;
	v2 =	vld [tilespmem:s13+$0x1D500];
	[tilespmem:s11+$0x1BC80] =	vst v3;
	s11 =	smov.u32 s13  }
0xc5: {  	v3 =	vld [tilespmem:s11+$0x1BC80];
	_ =	sdelay $0x4  }
0xc6: {  	v2 =	vmax.f32 v3, v2  }
0xc7: {  	s30 =	simm.s32 $0x0;
	s4 =	rddreg [dreg:$0xb];
	[tilespmem:s11+$0x1BC80] =	vst v2  }
0xc8: {  	[tilespmem:s10], [sflag:$0x1] =	stream.linear.gather [hbm4b:s4+s30], $0x1870, $0x38;
	[tilespmem:$0x1ED80] =	vst v63  }
0xc9: {  	_ =	swait.ge [sflag:s1], $0x1870  }
0xca: {  	[sflag:s1] =	ssyncset.done $0x0  }
0xcb: {  	s11 =	simm.s32 $0x0;
	[sflag:s1] =	ssyncadd.s32 $0xFFFFE790  }
0xcc: {  	s12 =	simm.s32 $0x40;
	v2 =	vld [tilespmem:s11+$0x1D500]  }
.LBB2_19:
0xcd: {  	p0 =	sne.s32 s12, $0x6180;
	v3 =	vld [tilespmem:s11+$0x1BC80];
	_ =	sdelay $0x1  }
.Ltmp11:
0xce: {  	(pc) =	sbr.rel @p0 .LBB2_19-.Ltmp11, $3  }
0xcf: {  	_ =	sdelay $0x1  }
0xd0: {  	s13 =	sshra.s32 s12, $0x2;
	v3 =	vmax.f32 v3, v2  }
0xd1: {  	s12 =	sadd.s32 $0x40, s12;
	v2 =	vld [tilespmem:s13+$0x1D500];
	[tilespmem:s11+$0x1BC80] =	vst v3;
	s11 =	smov.u32 s13  }
0xd2: {  	v3 =	vld [tilespmem:s11+$0x1BC80];
	_ =	sdelay $0x4  }
0xd3: {  	v2 =	vmax.f32 v3, v2  }
0xd4: {  	s30 =	simm.s32 $0x0;
	s4 =	rddreg [dreg:$0xc];
	[tilespmem:s11+$0x1BC80] =	vst v2  }
0xd5: {  	[tilespmem:s10], [sflag:$0x1] =	stream.linear.gather [hbm4b:s4+s30], $0x1870, $0x38;
	[tilespmem:$0x1ED80] =	vst v63  }
0xd6: {  	_ =	swait.ge [sflag:s1], $0x1870  }
0xd7: {  	[sflag:s1] =	ssyncset.done $0x0  }
0xd8: {  	s11 =	simm.s32 $0x0;
	[sflag:s1] =	ssyncadd.s32 $0xFFFFE790  }
0xd9: {  	s12 =	simm.s32 $0x40;
	v2 =	vld [tilespmem:s11+$0x1D500]  }
.LBB2_21:
0xda: {  	p0 =	sne.s32 s12, $0x6180;
	v3 =	vld [tilespmem:s11+$0x1BC80];
	_ =	sdelay $0x1  }
.Ltmp12:
0xdb: {  	(pc) =	sbr.rel @p0 .LBB2_21-.Ltmp12, $3  }
0xdc: {  	_ =	sdelay $0x1  }
0xdd: {  	s13 =	sshra.s32 s12, $0x2;
	v3 =	vmax.f32 v3, v2  }
0xde: {  	s12 =	sadd.s32 $0x40, s12;
	v2 =	vld [tilespmem:s13+$0x1D500];
	[tilespmem:s11+$0x1BC80] =	vst v3;
	s11 =	smov.u32 s13  }
0xdf: {  	v3 =	vld [tilespmem:s11+$0x1BC80];
	_ =	sdelay $0x4  }
0xe0: {  	v2 =	vmax.f32 v3, v2  }
0xe1: {  	s30 =	simm.s32 $0x0;
	s4 =	rddreg [dreg:$0xd];
	[tilespmem:s11+$0x1BC80] =	vst v2  }
0xe2: {  	[tilespmem:s10], [sflag:$0x1] =	stream.linear.gather [hbm4b:s4+s30], $0x1870, $0x38;
	[tilespmem:$0x1ED80] =	vst v63  }
0xe3: {  	_ =	swait.ge [sflag:s1], $0x1870  }
0xe4: {  	[sflag:s1] =	ssyncset.done $0x0  }
0xe5: {  	s11 =	simm.s32 $0x0;
	[sflag:s1] =	ssyncadd.s32 $0xFFFFE790  }
0xe6: {  	s12 =	simm.s32 $0x40;
	v2 =	vld [tilespmem:s11+$0x1D500]  }
.LBB2_23:
0xe7: {  	p0 =	sne.s32 s12, $0x6180;
	v3 =	vld [tilespmem:s11+$0x1BC80];
	_ =	sdelay $0x1  }
.Ltmp13:
0xe8: {  	(pc) =	sbr.rel @p0 .LBB2_23-.Ltmp13, $3  }
0xe9: {  	_ =	sdelay $0x1  }
0xea: {  	s13 =	sshra.s32 s12, $0x2;
	v3 =	vmax.f32 v3, v2  }
0xeb: {  	s12 =	sadd.s32 $0x40, s12;
	v2 =	vld [tilespmem:s13+$0x1D500];
	[tilespmem:s11+$0x1BC80] =	vst v3;
	s11 =	smov.u32 s13  }
0xec: {  	v3 =	vld [tilespmem:s11+$0x1BC80];
	_ =	sdelay $0x4  }
0xed: {  	v2 =	vmax.f32 v3, v2  }
0xee: {  	s22 =	simm.s32 $0x0;
	s4 =	rddreg [dreg:$0x16];
	[tilespmem:s11+$0x1BC80] =	vst v2  }
0xef: {  	[hbm4b:s4+s22] =	stream.linear.scatter [tilespmem:s5], [sflag:$0x1], $0x1870, $0x38;
	[tilespmem:$0x1ED80] =	vst v63  }
0xf0: {  	_ =	swait.ge [sflag:s1], $0x1870  }
0xf1: {  	[sflag:s1] =	ssyncset.done $0x0  }
0xf2: {  	s23 =	rddreg [dreg:$0xe];
	[sflag:s1] =	ssyncadd.s32 $0xFFFFE790  }
0xf3: {  	[tilespmem:s5], [sflag:$0x1] =	stream.linear.gather [hbm4b:s23+s22], $0x1870, $0x38;
	[tilespmem:$0x1ED80] =	vst v63  }
0xf4: {  	_ =	swait.ge [sflag:s1], $0x1870  }
0xf5: {  	[sflag:s1] =	ssyncset.done $0x0  }
0xf6: {  	s30 =	rddreg [dreg:$0xf];
	[sflag:s1] =	ssyncadd.s32 $0xFFFFE790  }
0xf7: {  	[tilespmem:s10], [sflag:$0x1] =	stream.linear.gather [hbm4b:s30+s22], $0x1870, $0x38;
	[tilespmem:$0x1ED80] =	vst v63  }
0xf8: {  	_ =	swait.ge [sflag:s1], $0x1870  }
0xf9: {  	[sflag:s1] =	ssyncset.done $0x0  }
0xfa: {  	s11 =	simm.s32 $0x0;
	[sflag:s1] =	ssyncadd.s32 $0xFFFFE790  }
0xfb: {  	s12 =	simm.s32 $0x40;
	v2 =	vld [tilespmem:s11+$0x1D500]  }
.LBB2_25:
0xfc: {  	p0 =	sne.s32 s12, $0x6180;
	v3 =	vld [tilespmem:s11+$0x1BC80];
	_ =	sdelay $0x1  }
.Ltmp14:
0xfd: {  	(pc) =	sbr.rel @p0 .LBB2_25-.Ltmp14, $3  }
0xfe: {  	_ =	sdelay $0x1  }
0xff: {  	s13 =	sshra.s32 s12, $0x2;
	v3 =	vmax.f32 v3, v2  }
0x100: {  	s12 =	sadd.s32 $0x40, s12;
	v2 =	vld [tilespmem:s13+$0x1D500];
	[tilespmem:s11+$0x1BC80] =	vst v3;
	s11 =	smov.u32 s13  }
0x101: {  	v3 =	vld [tilespmem:s11+$0x1BC80];
	_ =	sdelay $0x4  }
0x102: {  	v2 =	vmax.f32 v3, v2  }
0x103: {  	s30 =	simm.s32 $0x0;
	s4 =	rddreg [dreg:$0x10];
	[tilespmem:s11+$0x1BC80] =	vst v2  }
0x104: {  	[tilespmem:s10], [sflag:$0x1] =	stream.linear.gather [hbm4b:s4+s30], $0x1870, $0x38;
	[tilespmem:$0x1ED80] =	vst v63  }
0x105: {  	_ =	swait.ge [sflag:s1], $0x1870  }
0x106: {  	[sflag:s1] =	ssyncset.done $0x0  }
0x107: {  	s11 =	simm.s32 $0x0;
	[sflag:s1] =	ssyncadd.s32 $0xFFFFE790  }
0x108: {  	s12 =	simm.s32 $0x40;
	v2 =	vld [tilespmem:s11+$0x1D500]  }
.LBB2_27:
0x109: {  	p0 =	sne.s32 s12, $0x6180;
	v3 =	vld [tilespmem:s11+$0x1BC80];
	_ =	sdelay $0x1  }
.Ltmp15:
0x10a: {  	(pc) =	sbr.rel @p0 .LBB2_27-.Ltmp15, $3  }
0x10b: {  	_ =	sdelay $0x1  }
0x10c: {  	s13 =	sshra.s32 s12, $0x2;
	v3 =	vmax.f32 v3, v2  }
0x10d: {  	s12 =	sadd.s32 $0x40, s12;
	v2 =	vld [tilespmem:s13+$0x1D500];
	[tilespmem:s11+$0x1BC80] =	vst v3;
	s11 =	smov.u32 s13  }
0x10e: {  	v3 =	vld [tilespmem:s11+$0x1BC80];
	_ =	sdelay $0x4  }
0x10f: {  	v2 =	vmax.f32 v3, v2  }
0x110: {  	s30 =	simm.s32 $0x0;
	s4 =	rddreg [dreg:$0x11];
	[tilespmem:s11+$0x1BC80] =	vst v2  }
0x111: {  	[tilespmem:s10], [sflag:$0x1] =	stream.linear.gather [hbm4b:s4+s30], $0x1870, $0x38;
	[tilespmem:$0x1ED80] =	vst v63  }
0x112: {  	_ =	swait.ge [sflag:s1], $0x1870  }
0x113: {  	[sflag:s1] =	ssyncset.done $0x0  }
0x114: {  	s11 =	simm.s32 $0x0;
	[sflag:s1] =	ssyncadd.s32 $0xFFFFE790  }
0x115: {  	s12 =	simm.s32 $0x40;
	v2 =	vld [tilespmem:s11+$0x1D500]  }
.LBB2_29:
0x116: {  	p0 =	sne.s32 s12, $0x6180;
	v3 =	vld [tilespmem:s11+$0x1BC80];
	_ =	sdelay $0x1  }
.Ltmp16:
0x117: {  	(pc) =	sbr.rel @p0 .LBB2_29-.Ltmp16, $3  }
0x118: {  	_ =	sdelay $0x1  }
0x119: {  	s13 =	sshra.s32 s12, $0x2;
	v3 =	vmax.f32 v3, v2  }
0x11a: {  	s12 =	sadd.s32 $0x40, s12;
	v2 =	vld [tilespmem:s13+$0x1D500];
	[tilespmem:s11+$0x1BC80] =	vst v3;
	s11 =	smov.u32 s13  }
0x11b: {  	v3 =	vld [tilespmem:s11+$0x1BC80];
	_ =	sdelay $0x4  }
0x11c: {  	v2 =	vmax.f32 v3, v2  }
0x11d: {  	s30 =	simm.s32 $0x0;
	s4 =	rddreg [dreg:$0x12];
	[tilespmem:s11+$0x1BC80] =	vst v2  }
0x11e: {  	[tilespmem:s10], [sflag:$0x1] =	stream.linear.gather [hbm4b:s4+s30], $0x1870, $0x38;
	[tilespmem:$0x1ED80] =	vst v63  }
0x11f: {  	_ =	swait.ge [sflag:s1], $0x1870  }
0x120: {  	[sflag:s1] =	ssyncset.done $0x0  }
0x121: {  	s11 =	simm.s32 $0x0;
	[sflag:s1] =	ssyncadd.s32 $0xFFFFE790  }
0x122: {  	s12 =	simm.s32 $0x40;
	v2 =	vld [tilespmem:s11+$0x1D500]  }
.LBB2_31:
0x123: {  	p0 =	sne.s32 s12, $0x6180;
	v3 =	vld [tilespmem:s11+$0x1BC80];
	_ =	sdelay $0x1  }
.Ltmp17:
0x124: {  	(pc) =	sbr.rel @p0 .LBB2_31-.Ltmp17, $3  }
0x125: {  	_ =	sdelay $0x1  }
0x126: {  	s13 =	sshra.s32 s12, $0x2;
	v3 =	vmax.f32 v3, v2  }
0x127: {  	s12 =	sadd.s32 $0x40, s12;
	v2 =	vld [tilespmem:s13+$0x1D500];
	[tilespmem:s11+$0x1BC80] =	vst v3;
	s11 =	smov.u32 s13  }
0x128: {  	v3 =	vld [tilespmem:s11+$0x1BC80];
	_ =	sdelay $0x4  }
0x129: {  	v2 =	vmax.f32 v3, v2  }
0x12a: {  	s30 =	simm.s32 $0x0;
	s4 =	rddreg [dreg:$0x13];
	[tilespmem:s11+$0x1BC80] =	vst v2  }
0x12b: {  	[tilespmem:s10], [sflag:$0x1] =	stream.linear.gather [hbm4b:s4+s30], $0x1870, $0x38;
	[tilespmem:$0x1ED80] =	vst v63  }
0x12c: {  	_ =	swait.ge [sflag:s1], $0x1870  }
0x12d: {  	[sflag:s1] =	ssyncset.done $0x0  }
0x12e: {  	s11 =	simm.s32 $0x0;
	[sflag:s1] =	ssyncadd.s32 $0xFFFFE790  }
0x12f: {  	s12 =	simm.s32 $0x40;
	v2 =	vld [tilespmem:s11+$0x1D500]  }
.LBB2_33:
0x130: {  	p0 =	sne.s32 s12, $0x6180;
	v3 =	vld [tilespmem:s11+$0x1BC80];
	_ =	sdelay $0x1  }
.Ltmp18:
0x131: {  	(pc) =	sbr.rel @p0 .LBB2_33-.Ltmp18, $3  }
0x132: {  	_ =	sdelay $0x1  }
0x133: {  	s13 =	sshra.s32 s12, $0x2;
	v3 =	vmax.f32 v3, v2  }
0x134: {  	s12 =	sadd.s32 $0x40, s12;
	v2 =	vld [tilespmem:s13+$0x1D500];
	[tilespmem:s11+$0x1BC80] =	vst v3;
	s11 =	smov.u32 s13  }
0x135: {  	v3 =	vld [tilespmem:s11+$0x1BC80];
	_ =	sdelay $0x4  }
0x136: {  	v2 =	vmax.f32 v3, v2  }
0x137: {  	s30 =	simm.s32 $0x0;
	s4 =	rddreg [dreg:$0x14];
	[tilespmem:s11+$0x1BC80] =	vst v2  }
0x138: {  	[tilespmem:s10], [sflag:$0x1] =	stream.linear.gather [hbm4b:s4+s30], $0x1870, $0x38;
	[tilespmem:$0x1ED80] =	vst v63  }
0x139: {  	_ =	swait.ge [sflag:s1], $0x1870  }
0x13a: {  	[sflag:s1] =	ssyncset.done $0x0  }
0x13b: {  	s11 =	simm.s32 $0x0;
	[sflag:s1] =	ssyncadd.s32 $0xFFFFE790  }
0x13c: {  	s12 =	simm.s32 $0x40;
	v2 =	vld [tilespmem:s11+$0x1D500]  }
.LBB2_35:
0x13d: {  	p0 =	sne.s32 s12, $0x6180;
	v3 =	vld [tilespmem:s11+$0x1BC80];
	_ =	sdelay $0x1  }
.Ltmp19:
0x13e: {  	(pc) =	sbr.rel @p0 .LBB2_35-.Ltmp19, $3  }
0x13f: {  	_ =	sdelay $0x1  }
0x140: {  	s13 =	sshra.s32 s12, $0x2;
	v3 =	vmax.f32 v3, v2  }
0x141: {  	s12 =	sadd.s32 $0x40, s12;
	v2 =	vld [tilespmem:s13+$0x1D500];
	[tilespmem:s11+$0x1BC80] =	vst v3;
	s11 =	smov.u32 s13  }
0x142: {  	v3 =	vld [tilespmem:s11+$0x1BC80];
	_ =	sdelay $0x4  }
0x143: {  	v2 =	vmax.f32 v3, v2  }
0x144: {  	s30 =	simm.s32 $0x0;
	s4 =	rddreg [dreg:$0x15];
	[tilespmem:s11+$0x1BC80] =	vst v2  }
0x145: {  	[tilespmem:s10], [sflag:$0x1] =	stream.linear.gather [hbm4b:s4+s30], $0x1870, $0x38;
	[tilespmem:$0x1ED80] =	vst v63  }
0x146: {  	_ =	swait.ge [sflag:s1], $0x1870  }
0x147: {  	[sflag:s1] =	ssyncset.done $0x0  }
0x148: {  	s11 =	simm.s32 $0x0;
	[sflag:s1] =	ssyncadd.s32 $0xFFFFE790  }
0x149: {  	s12 =	simm.s32 $0x40;
	v2 =	vld [tilespmem:s11+$0x1D500]  }
.LBB2_37:
0x14a: {  	p0 =	sne.s32 s12, $0x6180;
	v3 =	vld [tilespmem:s11+$0x1BC80];
	_ =	sdelay $0x1  }
.Ltmp20:
0x14b: {  	(pc) =	sbr.rel @p0 .LBB2_37-.Ltmp20, $3  }
0x14c: {  	_ =	sdelay $0x1  }
0x14d: {  	s13 =	sshra.s32 s12, $0x2;
	v3 =	vmax.f32 v3, v2  }
0x14e: {  	s12 =	sadd.s32 $0x40, s12;
	v2 =	vld [tilespmem:s13+$0x1D500];
	[tilespmem:s11+$0x1BC80] =	vst v3;
	s11 =	smov.u32 s13  }
0x14f: {  	v3 =	vld [tilespmem:s11+$0x1BC80];
	_ =	sdelay $0x4  }
0x150: {  	v2 =	vmax.f32 v3, v2  }
0x151: {  	s4 =	rddreg [dreg:$0x17];
	[tilespmem:s11+$0x1BC80] =	vst v2;
	s11 =	simm.s32 $0x0  }
0x152: {  	[hbm4b:s4+s11] =	stream.linear.scatter [tilespmem:s5], [sflag:$0x1], $0x1870, $0x38;
	[tilespmem:$0x1ED80] =	vst v63  }
0x153: {  	_ =	swait.ge [sflag:s1], $0x1870  }
0x154: {  	[sflag:s1] =	ssyncset.done $0x0  }
0x155: {  	[sflag:s1] =	ssyncadd.s32 $0xFFFFE790  }
0x156: {  	[bflag:$0x0] =	sbarrier.arrive $0xFFFF  }
0x157: {  	s30 =	rddreg [dreg:$0x18]  }
0x158: {  	[tilespmem:s11], [sflag:$0x1] =	stream.linear.gather [hbm4b:s30+s11], $0xC380, $0x38;
	[tilespmem:$0x1ED80] =	vst v63  }
0x159: {  	_ =	swait.ge [sflag:s1], $0xC380  }
0x15a: {  	[sflag:s1] =	ssyncset.done $0x0  }
0x15b: {  	s12 =	simm.s32 $0x0;
	[sflag:s1] =	ssyncadd.s32 $0xFFFF3C80  }
.LBB2_39:
0x15c: {  	s13 =	smul.u32 $0xC80, s12;
	_ =	sdelay $0x1  }
0x15d: {  	s13 =	sadd.s32 s28, s13  }
0x15e: {  	s14 =	sshrl.u32 s13, $0x3  }
0x15f: {  	s14 =	sadd.s32 s29, s14  }
0x160: {  	[tilespmem:s0], [sflag:$0x1] =	stream.linear.gather [hbm4b:s14+s11], $0xC80, $0x38;
	[tilespmem:$0x1ED80] =	vst v63  }
0x161: {  	s13 =	sadd.s32 s25, s13;
	_ =	swait.ge [sflag:s1], $0xC80  }
0x162: {  	s13 =	sshrl.u32 s13, $0x3;
	[sflag:s1] =	ssyncset.done $0x0  }
0x163: {  	s22 =	smul.u32 $0x19, s12;
	s15 =	sadd.s32 s20, s13;
	[sflag:s1] =	ssyncadd.s32 $0xFFFFF380  }
0x164: {  	[tilespmem:s2], [sflag:$0x1] =	stream.linear.gather [hbm4b:s15+s11], $0xC80, $0x38;
	[tilespmem:$0x1ED80] =	vst v63  }
0x165: {  	s14 =	sadd.s32 s31, s22;
	_ =	swait.ge [sflag:s1], $0xC80  }
0x166: {  	s14 =	sshll.u32 s14, $0x7;
	[sflag:s1] =	ssyncset.done $0x0  }
0x167: {  	s14 =	sadd.s32 s14, s26;
	[sflag:s1] =	ssyncadd.s32 $0xFFFFF380  }
0x168: {  	[tilespmem:s8], [sflag:$0x1] =	stream.strided.gather [hbm4b:s14+s6], $0xC80, s7, s6, $0x38;
	[tilespmem:$0x1ED80] =	vst v63  }
0x169: {  	_ =	swait.ge [sflag:s1], $0xC80  }
0x16a: {  	[sflag:s1] =	ssyncset.done $0x0  }
0x16b: {  	s14 =	simm.s32 $0x0;
	[sflag:s1] =	ssyncadd.s32 $0xFFFFF380  }
0x16c: {  	v2 =	vld [tilespmem:s14+$0x18730];
	_ =	sdelay $0x4  }
0x16d: {  	v3 =	vld [tilespmem:s14+$0x18700]  }
0x16e: {  	v4 =	vld [tilespmem:s14+$0x18710]  }
0x16f: {  	v7 =	vld [tilespmem:s14+$0x193B0]  }
0x170: {  	v2 =	vld.idx.msk [tilespmem:v2+s18+$0x0], $0xffff  }
0x171: {  	v5 =	vld [tilespmem:s14+$0x18720];
	_ =	sdelay $0x2  }
0x172: {  	v6 =	vld [tilespmem:s14+$0x19380]  }
0x173: {  	v3 =	vld.idx.msk [tilespmem:v3+s18+$0x0], $0xffff;
	v2 =	vsub.f32 v7, v2  }
0x174: {  	v8 =	vld [tilespmem:s14+$0x19390]  }
0x175: {  	v9 =	vld [tilespmem:s14+$0x193A0];
	v2 =	vmul.f32 $1.442695020e+00, v2  }
0x176: {  	v4 =	vld.idx.msk [tilespmem:v4+s18+$0x0], $0xffff  }
0x177: {  	s15 =	simm.s32 $0x40;
	v5 =	vld.idx.msk [tilespmem:v5+s18+$0x0], $0xffff;
	(erf) = vpow2.f32 v2  }
0x178: {  	v3 =	vsub.f32 v6, v3;
	v6 =	vld [tilespmem:s15+$0x18700]  }
0x179: {  	s16 =	sand.u32 $0x3E00, s11;
	v11 =	vld [tilespmem:s15+$0x18720]  }
0x17a: {  	s17 =	simm.s32 $0x30;
	s16 =	sshrl.u32 s16, $0x2  }
0x17b: {  	s23 =	sand.u32 $0x70, s17;
	s19 =	sor.u32 $0x1A000, s16;
	v7 =	vld [tilespmem:s15+$0x18730];
	v4 =	vsub.f32 v8, v4  }
0x17c: {  	s16 =	sor.u32 s23, s19;
	v5 =	vsub.f32 v9, v5;
	v3 =	vmul.f32 $1.442695020e+00, v3  }
0x17d: {  	v12 =	vld [tilespmem:s16+$0x0];
	v4 =	vmul.f32 $1.442695020e+00, v4  }
0x17e: {  	v8 =	vld [tilespmem:s15+$0x18710];
	v5 =	vmul.f32 $1.442695020e+00, v5;
	(erf) = vpow2.f32 v3  }
0x17f: {  	v14 =	vld [tilespmem:s15+$0x193B0];
	(erf) = vpow2.f32 v4  }
0x180: {  	v9 =	vld.idx.msk [tilespmem:v6+s18+$0x0], $0xffff;
	v6 =	vpop (erf);
	(erf) = vpow2.f32 v5  }
0x181: {  	v11 =	vld.idx.msk [tilespmem:v11+s18+$0x0], $0xffff  }
0x182: {  	v2 =	vld [tilespmem:s15+$0x19380]  }
0x183: {  	v13 =	vld.idx.msk [tilespmem:v7+s18+$0x0], $0xffff  }
0x184: {  	v3 =	vld [tilespmem:s15+$0x19390];
	v6 =	vmul.f32 v6, v12  }
0x185: {  	s30 =	simm.s32 $0x10;
	s23 =	simm.s32 $0x20;
	s22 =	sand.u32 $0x40, s11;
	v4 =	vld [tilespmem:s15+$0x193A0]  }
0x186: {  	s30 =	sand.u32 $0x50, s30;
	s23 =	sand.u32 $0x60, s23;
	s22 =	sor.u32 s22, s19;
	v10 =	vld.idx.msk [tilespmem:v8+s18+$0x0], $0xffff  }
0x187: {  	s17 =	simm.s32 $0x4;
	s30 =	sor.u32 s30, s19;
	s23 =	sor.u32 s23, s19;
	v7 =	vld [tilespmem:s22+$0x0];
	v8 =	vpop (erf)  }
0x188: {  	s19 =	simm.s32 $0x0;
	s16 =	simm.s32 $0x100;
	s22 =	simm.s32 $0x200;
	v5 =	vld [tilespmem:s30+$0x0];
	v12 =	vsub.f32 v14, v13;
	[tilespmem:s14+$0x1B030] =	vst v6;
	v6 =	vpop (erf)  }
.LBB2_40:
0x189: {  	s30 =	sshra.s32 s22, $0x2;
	s17 =	sadd.s32 $0x4, s17;
	v13 =	vld [tilespmem:s23+$0x0];
	v14 =	vpop (erf)  }
0x18a: {  	v2 =	vsub.f32 v2, v9;
	v15 =	vld [tilespmem:s30+$0x18730];
	p0 =	slt.u32 s17, $0xC4;
	v9 =	vmul.f32 $1.442695020e+00, v12  }
0x18b: {  	v3 =	vsub.f32 v3, v10;
	v12 =	vld [tilespmem:s30+$0x18700]  }
0x18c: {  	v16 =	vmul.f32 $1.442695020e+00, v2;
	v4 =	vsub.f32 v4, v11;
	v10 =	vld [tilespmem:s30+$0x18710];
	(erf) = vpow2.f32 v9  }
0x18d: {  	s23 =	sand.u32 $0x3E00, s16;
	s19 =	sadd.s32 $0x40, s19;
	s16 =	smov.u32 s22;
	v9 =	vmul.f32 $1.442695020e+00, v3;
	v7 =	vmul.f32 v8, v7;
	v11 =	vld [tilespmem:s30+$0x18720]  }
0x18e: {  	s23 =	sshrl.u32 s23, $0x2;
	s21 =	sadd.s32 $0x10, s19;
	s4 =	sadd.s32 $0x30, s19;
	v8 =	vmul.f32 $1.442695020e+00, v4;
	v2 =	vld [tilespmem:s30+$0x19380];
	(erf) = vpow2.f32 v16  }
0x18f: {  	s5 =	sor.u32 $0x1A000, s23;
	s23 =	sadd.s32 $0x20, s19;
	s4 =	sand.u32 $0x70, s4;
	v5 =	vmul.f32 v6, v5;
	v3 =	vld [tilespmem:s30+$0x19390];
	(erf) = vpow2.f32 v9;
	[tilespmem:s14+$0x1B000] =	vst v7  }
0x190: {  	s21 =	sand.u32 $0x50, s21;
	s23 =	sand.u32 $0x60, s23;
	s4 =	sor.u32 s4, s5;
	v6 =	vmul.f32 v14, v13;
	v4 =	vld [tilespmem:s30+$0x193A0];
	(erf) = vpow2.f32 v8  }
0x191: {  	s10 =	sand.u32 $0x40, s19;
	s21 =	sor.u32 s21, s5;
	s23 =	sor.u32 s23, s5;
	v7 =	vld [tilespmem:s4+$0x0];
	[tilespmem:s14+$0x1B010] =	vst v5  }
0x192: {  	s4 =	sor.u32 s10, s5;
	v5 =	vld.idx.msk [tilespmem:v15+s18+$0x0], $0xffff;
	[tilespmem:s14+$0x1B020] =	vst v6;
	s14 =	smov.u32 s15;
	s15 =	smov.u32 s30  }
0x193: {  	v6 =	vld [tilespmem:s15+$0x193B0]  }
.Ltmp21:
0x194: {  	v9 =	vld.idx.msk [tilespmem:v12+s18+$0x0], $0xffff;
	(pc) =	sbr.rel @p0 .LBB2_40-.Ltmp21, $4  }
0x195: {  	v10 =	vld.idx.msk [tilespmem:v10+s18+$0x0], $0xffff;
	v8 =	vpop (erf)  }
0x196: {  	v11 =	vld.idx.msk [tilespmem:v11+s18+$0x0], $0xffff;
	v13 =	vmul.f32 v8, v7  }
0x197: {  	v7 =	vld [tilespmem:s4+$0x0];
	v8 =	vpop (erf)  }
0x198: {  	s22 =	sadd.s32 $0x100, s22;
	v12 =	vsub.f32 v6, v5;
	v5 =	vld [tilespmem:s21+$0x0];
	[tilespmem:s14+$0x1B030] =	vst v13;
	v6 =	vpop (erf)  }
0x199: {  	_ = 	snop  }
0x19a: {  	v57 =	vmul.f32 $1.442695020e+00, v12  }
0x19b: {  	v2 =	vsub.f32 v2, v9  }
0x19c: {  	v3 =	vsub.f32 v3, v10;
	(erf) = vpow2.f32 v57  }
0x19d: {  	s4 =	sand.u32 $0x3E00, s16;
	s5 =	sadd.s32 $0x40, s19;
	v2 =	vmul.f32 $1.442695020e+00, v2;
	v4 =	vsub.f32 v4, v11  }
0x19e: {  	s4 =	sshrl.u32 s4, $0x2;
	s10 =	sadd.s32 $0x30, s5;
	v3 =	vmul.f32 $1.442695020e+00, v3  }
0x19f: {  	s4 =	sor.u32 $0x1A000, s4;
	s10 =	sand.u32 $0x70, s10;
	v4 =	vmul.f32 $1.442695020e+00, v4;
	(erf) = vpow2.f32 v2  }
0x1a0: {  	s10 =	sor.u32 s10, s4;
	v2 =	vld [tilespmem:s23+$0x0];
	(erf) = vpow2.f32 v3  }
0x1a1: {  	v3 =	vld [tilespmem:s10+$0x0];
	(erf) = vpow2.f32 v4  }
0x1a2: {  	s22 =	sadd.s32 $0x10, s5;
	s17 =	sand.u32 $0x40, s5  }
0x1a3: {  	s5 =	sadd.s32 $0x20, s5;
	s16 =	sand.u32 $0x50, s22;
	s23 =	sor.u32 s17, s4  }
0x1a4: {  	v60 =	vpop (erf);
	s5 =	sand.u32 $0x60, s5;
	s16 =	sor.u32 s16, s4;
	v58 =	vld [tilespmem:s23+$0x0]  }
0x1a5: {  	v7 =	vmul.f32 v8, v7;
	s4 =	sor.u32 s5, s4;
	v59 =	vld [tilespmem:s16+$0x0];
	v2 =	vmul.f32 v60, v2;
	v62 =	vpop (erf)  }
0x1a6: {  	v5 =	vmul.f32 v6, v5;
	v61 =	vld [tilespmem:s4+$0x0];
	v3 =	vmul.f32 v62, v3  }
0x1a7: {  	[tilespmem:s14+$0x1B000] =	vst v7  }
0x1a8: {  	[tilespmem:s14+$0x1B010] =	vst v5;
	v63 =	vpop (erf)  }
0x1a9: {  	[tilespmem:s14+$0x1B020] =	vst v2;
	v2 =	vpop (erf);
	v4 =	vmul.f32 v63, v58  }
0x1aa: {  	[tilespmem:s15+$0x1B030] =	vst v3;
	v2 =	vmul.f32 v2, v59;
	v3 =	vpop (erf)  }
0x1ab: {  	s12 =	sadd.s32 $0x1, s12;
	[tilespmem:s15+$0x1B000] =	vst v4;
	v3 =	vmul.f32 v3, v61  }
0x1ac: {  	p0 =	sne.s32 s12, $0x7D;
	[tilespmem:s15+$0x1B010] =	vst v2  }
.Ltmp22:
0x1ad: {  	s30 =	sadd.s32 s24, s13;
	[tilespmem:s15+$0x1B020] =	vst v3;
	(pc) =	sbr.rel @p0 .LBB2_39-.Ltmp22, $4  }
0x1ae: {  	[hbm4b:s30+s18] =	stream.linear.scatter [tilespmem:s9], [sflag:$0x1], $0xC80, $0x38;
	[tilespmem:$0x1ED80] =	vst v63  }
0x1af: {  	_ =	swait.ge [sflag:s1], $0xC80  }
0x1b0: {  	[sflag:s1] =	ssyncset.done $0x0  }
0x1b1: {  	[sflag:s1] =	ssyncadd.s32 $0xFFFFF380  }
0x1b2: {  	s11 =	rddreg [dreg:$0x1b]  }
0x1b3: {  	s4 =	rddreg [dreg:$0x1a];
	s11 =	sadd.s32 $0x1, s11  }
0x1b4: {  	p0 =	sne.s32 s11, s4  }
.Ltmp23:
0x1b5: {  	_ = 	snop;
	(pc) =	sbr.rel @p0 .LBB2_1-.Ltmp23, $2  }
0x1b6: {  	_ =	sdelay $0x2  }
0x1b7: {  	s5 =	simm.s32 $0x1BC80;
	s10 =	simm.s32 $0x1D500  }
0x1b8: {  	_ =	sfence.sel $0x180000  }
0x1b9: {  	[bflag:$0x0] =	sbarrier.arrive $0xFFFF  }
0x1ba: {  	_ =	strace $0x90000047  }
0x1bb: {  	s0 =	stileid.u32;
	[bflag:$0x2] =	sbarrier.arrive $0xFFFF  }
0x1bc: {  	p0 =	sne.s32 s0, $0x0;
	s0 =	rddreg [dreg:$0x4]  }
0x1bd: {  	s0 =	sadd.s32 @!p0 $0x100000, s0  }
0x1be: {  	[sflag:s0] =	ssyncadd.tile.s32 @!p0 $0x1;
	_ =	shalt  }
.Lfunc_end2:
_tile_overlayer_lowered:
.L_overlay_start_2:
0x1bf: {  	(tag) =	ssettag $0x2  }
0x1c0: {  	s0 =	rddreg [dreg:$0x0];
	s2 =	stileid.u32  }
0x1c1: {  	s1 =	rddreg [dreg:$0x1];
	p0 =	sne.s32 s2, $0x0  }
0x1c2: {  	s3 =	rddreg [dreg:$0x2];
	[bflag:$0x3] =	sbarrier.arrive $0xFFFF;
	s2 =	simm.s32 @!p0 $0x1C01  }
0x1c3: {  	[timem:s3], [sflag:s2] =	dma.local @!p0 [hbm:s0], s1  }
0x1c4: {  	s0 =	simm.s32 @!p0 $0x1  }
0x1c5: {  	_ =	swait.ge @!p0 [sflag:s0], s1  }
0x1c6: {  	s1 =	ssub.s32 @!p0 $0x0, s1;
	[sflag:s0] =	ssyncset.done @!p0 $0x0  }
0x1c7: {  	[sflag:s0] =	ssyncadd.s32 @!p0 s1  }
0x1c8: {  	[bflag:$0x3] =	sbarrier.arrive $0xFFFF  }
0x1c9: {  	_ =	shalt  }

</sc_bundles>
